<compile_context>
chip_gen: v7x
topology: tpu7x:2x2x1
jax: 0.10.2.dev20260603
libtpu: 0.0.44.dev20260713+nightly
codegen_flags: <defaults>
</compile_context>

<pallas_src>
import functools
import jax
import jax.numpy as jnp
from jax import lax
from jax.experimental import pallas as pl
from jax.experimental.pallas import tpu as pltpu
from jax.experimental.pallas import tpu_sc as plsc

N = 10000
E = 320000
H = 128

NC = 2
NS = 16
NW = NC * NS
EPW = E // NW
C = 128
K = (EPW + C - 1) // C
EPW_PAD = K * C
ZR = 632
ACC_ROWS = NS * ZR


def _make_spmm(D):
    mesh = plsc.VectorSubcoreMesh(core_axis_name="c", subcore_axis_name="s")

    @functools.partial(
        pl.kernel,
        mesh=mesh,
        out_type=jax.ShapeDtypeStruct((NC, N, D), jnp.float32),
        scratch_types=[
            pltpu.VMEM((K, C), jnp.int32),
            pltpu.VMEM((K, C), jnp.int32),
            pltpu.VMEM((C, D), jnp.float32),
            pltpu.VMEM_SHARED((ACC_ROWS, D), jnp.float32),
            pltpu.SemaphoreType.DMA,
        ],
    )
    def spmm(z_hbm, src_hbm, dst_hbm, zeros_hbm, out_hbm,
             src_v, dst_v, rows_v, acc_sh, sem):
        cid = lax.axis_index("c")
        sid = lax.axis_index("s")
        wid = cid * NS + sid
        pltpu.sync_copy(zeros_hbm, acc_sh.at[pl.ds(sid * ZR, ZR), :])
        pltpu.sync_copy(src_hbm.at[wid], src_v)
        pltpu.sync_copy(dst_hbm.at[wid], dst_v)
        plsc.subcore_barrier()

        def body(j, carry):
            pltpu.async_copy(z_hbm.at[src_v.at[j]], rows_v, sem).wait()
            pltpu.sync_copy(rows_v, acc_sh.at[dst_v.at[j]], add=True)
            return carry

        lax.fori_loop(0, K, body, 0)
        plsc.subcore_barrier()

        @pl.when(sid < NS - 1)
        def _():
            pltpu.sync_copy(acc_sh.at[pl.ds(sid * ZR, ZR), :],
                            out_hbm.at[cid, pl.ds(sid * ZR, ZR), :])

        @pl.when(sid == NS - 1)
        def _():
            tail = N - (NS - 1) * ZR
            pltpu.sync_copy(acc_sh.at[pl.ds((NS - 1) * ZR, tail), :],
                            out_hbm.at[cid, pl.ds((NS - 1) * ZR, tail), :])

    return spmm


_spmm128 = _make_spmm(H)

BN = 1000
GRID = N // BN


def _row_spec(d):
    return pl.BlockSpec((BN, d), lambda i: (i, 0))


def _full_spec(r, c):
    return pl.BlockSpec((r, c), lambda i: (0, 0))


def _tc1_body(s0, s1, x7, wl, wr, b, wnext, x1_o, z2_o, inv_o):
    s = s0[...] + s1[...]
    inv = 1.0 / jnp.maximum(s[:, 7:8], 1.0)
    aggr = s * inv
    x1 = jnp.maximum(
        jnp.dot(aggr, wl[...], preferred_element_type=jnp.float32) + b[...]
        + jnp.dot(x7[...], wr[...], preferred_element_type=jnp.float32), 0.0)
    x1_o[...] = x1
    z2_o[...] = jnp.dot(x1, wnext[...], preferred_element_type=jnp.float32)
    inv_o[...] = inv


def _tc1(s0, s1, x7, wl, wr, b, wnext):
    return pl.pallas_call(
        _tc1_body,
        grid=(GRID,),
        in_specs=[_row_spec(H), _row_spec(H), _row_spec(H),
                  _full_spec(H, H), _full_spec(H, H), _full_spec(1, H),
                  _full_spec(H, H)],
        out_specs=[_row_spec(H), _row_spec(H), _row_spec(1)],
        out_shape=[jax.ShapeDtypeStruct((N, H), jnp.float32),
                   jax.ShapeDtypeStruct((N, H), jnp.float32),
                   jax.ShapeDtypeStruct((N, 1), jnp.float32)],
    )(s0, s1, x7, wl, wr, b, wnext)


def _tcmid_body(s0, s1, inv, x, wr, b, wnext, xn_o, zn_o):
    xn = jnp.maximum(
        (s0[...] + s1[...]) * inv[...] + b[...]
        + jnp.dot(x[...], wr[...], preferred_element_type=jnp.float32), 0.0)
    xn_o[...] = xn
    zn_o[...] = jnp.dot(xn, wnext[...], preferred_element_type=jnp.float32)


def _tcmid(s0, s1, inv, x, wr, b, wnext):
    return pl.pallas_call(
        _tcmid_body,
        grid=(GRID,),
        in_specs=[_row_spec(H), _row_spec(H), _row_spec(1), _row_spec(H),
                  _full_spec(H, H), _full_spec(1, H), _full_spec(H, H)],
        out_specs=[_row_spec(H), _row_spec(H)],
        out_shape=[jax.ShapeDtypeStruct((N, H), jnp.float32),
                   jax.ShapeDtypeStruct((N, H), jnp.float32)],
    )(s0, s1, inv, x, wr, b, wnext)


def _tc4_body(s0, s1, inv, x, wr, b, lw, lb, xprev, out_o):
    x4 = jnp.maximum(
        (s0[...] + s1[...]) * inv[...] + b[...]
        + jnp.dot(x[...], wr[...], preferred_element_type=jnp.float32), 0.0)
    out_o[...] = xprev[...] + jnp.dot(
        x4, lw[...], preferred_element_type=jnp.float32) + lb[...]


def _tc4(s0, s1, inv, x, wr, b, lw, lb, xprev):
    return pl.pallas_call(
        _tc4_body,
        grid=(GRID,),
        in_specs=[_row_spec(H), _row_spec(H), _row_spec(1), _row_spec(H),
                  _full_spec(H, H), _full_spec(1, H), _full_spec(H, 4),
                  _full_spec(1, 4), _row_spec(4)],
        out_specs=_row_spec(4),
        out_shape=jax.ShapeDtypeStruct((N, 4), jnp.float32),
    )(s0, s1, inv, x, wr, b, lw, lb, xprev)


@jax.jit
def kernel(F_0, edge_index, meshfield,
           enc_Wl1, enc_Wr1, enc_b1, enc_Wl2, enc_Wr2, enc_b2,
           dec_Wl1, dec_Wr1, dec_b1, dec_Wl2, dec_Wr2, dec_b2,
           lin_W, lin_b):
    x_prev = F_0[:, -1]
    x7 = jnp.concatenate([F_0.reshape(N, -1), meshfield], axis=1)
    z1 = jnp.concatenate(
        [x7, jnp.ones((N, 1), jnp.float32),
         jnp.zeros((N, H - 8), jnp.float32)], axis=1)
    x7p = jnp.concatenate([x7, jnp.zeros((N, H - 7), jnp.float32)], axis=1)

    def padH(w):
        return jnp.concatenate([w, jnp.zeros((H - 7, H), jnp.float32)], axis=0)

    wl1 = padH(enc_Wl1)
    wr1 = padH(enc_Wr1)

    src = edge_index[0].reshape(NW, EPW)
    dst = edge_index[1].reshape(NW, EPW)
    padn = EPW_PAD - EPW
    src3 = jnp.concatenate(
        [src, jnp.zeros((NW, padn), jnp.int32)], axis=1).reshape(NW, K, C)
    dst3 = jnp.concatenate(
        [dst, jnp.full((NW, padn), N, jnp.int32)], axis=1).reshape(NW, K, C)

    zeros128 = jnp.zeros((ZR, H), jnp.float32)

    s1p = _spmm128(z1, src3, dst3, zeros128)
    x1, z2, inv = _tc1(s1p[0], s1p[1], x7p, wl1, wr1,
                       enc_b1.reshape(1, H), enc_Wl2)
    s2p = _spmm128(z2, src3, dst3, zeros128)
    x2, z3 = _tcmid(s2p[0], s2p[1], inv, x1, enc_Wr2,
                    enc_b2.reshape(1, H), dec_Wl1)
    s3p = _spmm128(z3, src3, dst3, zeros128)
    x3, z4 = _tcmid(s3p[0], s3p[1], inv, x2, dec_Wr1,
                    dec_b1.reshape(1, H), dec_Wl2)
    s4p = _spmm128(z4, src3, dst3, zeros128)
    out = _tc4(s4p[0], s4p[1], inv, x3, dec_Wr2,
               dec_b2.reshape(1, H), lin_W, lin_b.reshape(1, 4), x_prev)
    return out[:, None, :]

# --- scband reference (transcript-rebuilt; emitter-appended) ---
"""Pipeline reference for scband-recurrent-formulation-net-21784074126003 (READ-ONLY COPY).

The authoritative reference and input builder live on the scoring server;
editing this copy changes nothing except your own understanding.
"""

import jax, jax.numpy as jnp
import numpy as np

N = 10000
E = 320000
H = 128
NF = 4
NM = 3
IN_DIM = NF * 1 + NM  # n_fields * n_previous_timesteps + n_meshfields = 7


def _winit(key, shape, scale=None):
    if scale is None:
        scale = 1.0 / np.sqrt(shape[0])
    return jax.random.uniform(key, shape, jnp.float32, -scale, scale)


def setup_inputs(seed: int = 0) -> dict:
    key = jax.random.key(seed)
    ks = jax.random.split(key, 24)
    inp = {}
    inp['F_0'] = jax.random.normal(ks[0], (N, 1, NF), jnp.float32)
    inp['edge_index'] = jax.random.randint(ks[1], (2, E), 0, N, jnp.int32)
    inp['meshfield'] = jax.random.normal(ks[2], (N, NM), jnp.float32)
    # encoder GraphSAGE layer 1: in=7 -> hidden=128 (lin_l with bias on aggregated, lin_r on root)
    inp['enc_Wl1'] = _winit(ks[3], (IN_DIM, H))
    inp['enc_Wr1'] = _winit(ks[4], (IN_DIM, H))
    inp['enc_b1'] = jnp.zeros((H,), jnp.float32)
    # encoder layer 2: hidden -> hidden
    inp['enc_Wl2'] = _winit(ks[5], (H, H))
    inp['enc_Wr2'] = _winit(ks[6], (H, H))
    inp['enc_b2'] = jnp.zeros((H,), jnp.float32)
    # decoder GraphSAGE layer 1: hidden -> hidden
    inp['dec_Wl1'] = _winit(ks[7], (H, H))
    inp['dec_Wr1'] = _winit(ks[8], (H, H))
    inp['dec_b1'] = jnp.zeros((H,), jnp.float32)
    # decoder layer 2: hidden -> hidden
    inp['dec_Wl2'] = _winit(ks[9], (H, H))
    inp['dec_Wr2'] = _winit(ks[10], (H, H))
    inp['dec_b2'] = jnp.zeros((H,), jnp.float32)
    # final projection hidden -> n_fields
    inp['lin_W'] = _winit(ks[11], (H, NF))
    inp['lin_b'] = jnp.zeros((NF,), jnp.float32)
    return inp


def _sage_conv(x, edge_index, Wl, Wr, b):
    # PyG SAGEConv, aggr='mean': out = lin_l(mean_{j in N(i)} x_j) + lin_r(x_i)
    src = edge_index[0]
    dst = edge_index[1]
    msg = jnp.take(x, src, axis=0)                       # gather  [E, d]
    summed = jax.ops.segment_sum(msg, dst, num_segments=N)  # scatter-add [N, d]
    cnt = jax.ops.segment_sum(jnp.ones((msg.shape[0], 1), x.dtype), dst, num_segments=N)
    aggr = summed / jnp.clip(cnt, 1.0, None)
    return aggr @ Wl + b + x @ Wr


def reference(F_0, edge_index, meshfield,
              enc_Wl1, enc_Wr1, enc_b1, enc_Wl2, enc_Wr2, enc_b2,
              dec_Wl1, dec_Wr1, dec_b1, dec_Wl2, dec_Wr2, dec_b2,
              lin_W, lin_b):
    # forward_instance with n_timesteps=1, time_dim=1, no edge_attr
    x_prev = F_0[:, -1]                                   # [N, NF]
    x = jnp.concatenate([F_0.reshape(N, -1), meshfield], axis=1)  # [N, 7]
    # encoder (GraphSAGE, 2 layers, relu between layers)
    x = _sage_conv(x, edge_index, enc_Wl1, enc_Wr1, enc_b1)
    x = jax.nn.relu(x)
    x = _sage_conv(x, edge_index, enc_Wl2, enc_Wr2, enc_b2)
    x = jax.nn.relu(x)  # self.act after encoder
    # decoder (GraphSAGE, 2 layers)
    x = _sage_conv(x, edge_index, dec_Wl1, dec_Wr1, dec_b1)
    x = jax.nn.relu(x)
    x = _sage_conv(x, edge_index, dec_Wl2, dec_Wr2, dec_b2)
    x = jax.nn.relu(x)  # self.act after decoder
    x = x_prev + (x @ lin_W + lin_b)                      # residual update
    return x[:, None, :]                                  # cat over time dim -> [N, 1, NF]

if __name__ == "__main__":
    import jax
    _d = setup_inputs()
    print(jax.jit(kernel)(*tuple(_d.values())))

</pallas_src>

<mosaic_0001>
#map = affine_map<(d0, d1) -> (0, 0)>
#map1 = affine_map<(d0, d1) -> (0, 0, 0)>
module attributes {stable_mosaic.version = 14 : i64} {
  func.func @spmm(%arg0: i32, %arg1: i32, %arg2: memref<10000x128xf32, #tpu.memory_space<hbm>>, %arg3: memref<32x79x128xi32, #tpu.memory_space<hbm>>, %arg4: memref<32x79x128xi32, #tpu.memory_space<hbm>>, %arg5: memref<632x128xf32, #tpu.memory_space<hbm>>, %arg6: memref<2x10000x128xf32, #tpu.memory_space<hbm>>, %arg7: memref<79x128xi32, #tpu.memory_space<vmem>>, %arg8: memref<79x128xi32, #tpu.memory_space<vmem>>, %arg9: memref<128x128xf32, #tpu.memory_space<vmem>>, %arg10: memref<10112x128xf32, #tpu.memory_space<vmem_shared>>, %arg11: memref<!tpu.dma_semaphore, #tpu.memory_space<semaphore_mem>>) attributes {dimension_semantics = [#tpu.dimension_semantics<core_parallel>, #tpu.dimension_semantics<subcore_parallel>], iteration_bounds = array<i64: 2, 16>, scalar_prefetch = 0 : i64, scratch_operands = 5 : i64, tpu.core_type = #tpu.core_type<sc_vector_subcore>, window_params = [{transform_indices = #map}, {transform_indices = #map1}, {transform_indices = #map1}, {transform_indices = #map}, {transform_indices = #map1}]} {
    %mul3A = arith.constant 16 : i32
    %mul3A_0 = arith.muli %arg0, %mul3A : i32
    %add3A = arith.addi %mul3A_0, %arg1 : i32
    %mul3A_1 = arith.constant 632 : i32
    %mul3A_2 = arith.muli %arg1, %mul3A_1 : i32
    "tpu.region"() ({
      %run_scoped3A = tpu.sem_alloc : memref<!tpu.dma_semaphore, #tpu.memory_space<semaphore_mem>>
      %dma_start3A = arith.constant 0 : i32
      %dma_start3A_15 = tpu.memref_slice %arg10[%mul3A_2, %dma_start3A] : memref<10112x128xf32, #tpu.memory_space<vmem_shared>> -> memref<632x128xf32, #tpu.memory_space<vmem_shared>>
      tpu.enqueue_dma source(%arg5 : memref<632x128xf32, #tpu.memory_space<hbm>>) target(%dma_start3A_15 : memref<632x128xf32, #tpu.memory_space<vmem_shared>>) target_semaphore(%run_scoped3A : memref<!tpu.dma_semaphore, #tpu.memory_space<semaphore_mem>>)
      %dma_wait3A = arith.constant 0 : i32
      %dma_wait3A_16 = tpu.memref_slice %arg10[%mul3A_2, %dma_wait3A] : memref<10112x128xf32, #tpu.memory_space<vmem_shared>> -> memref<632x128xf32, #tpu.memory_space<vmem_shared>>
      tpu.wait_dma2 semaphore(%run_scoped3A : memref<!tpu.dma_semaphore, #tpu.memory_space<semaphore_mem>>) src(%arg5 : memref<632x128xf32, #tpu.memory_space<hbm>>) dst(%dma_wait3A_16 : memref<632x128xf32, #tpu.memory_space<vmem_shared>>)
      tpu.yield
    }) : () -> ()
    "tpu.region"() ({
      %run_scoped3A = tpu.sem_alloc : memref<!tpu.dma_semaphore, #tpu.memory_space<semaphore_mem>>
      %dma_start3A = arith.constant 0 : i32
      %dma_start3A_15 = arith.constant 0 : i32
      %dma_start3A_16 = tpu.memref_slice %arg3[%add3A, %dma_start3A, %dma_start3A_15] : memref<32x79x128xi32, #tpu.memory_space<hbm>> -> memref<1x79x128xi32, #tpu.memory_space<hbm>>
      %dma_start3A_17 = tpu.memref_squeeze %dma_start3A_16 : memref<1x79x128xi32, #tpu.memory_space<hbm>> -> memref<79x128xi32, #tpu.memory_space<hbm>>
      %dma_start3A_18 = arith.constant 0 : i32
      %dma_start3A_19 = arith.constant 0 : i32
      %dma_start3A_20 = tpu.memref_slice %arg3[%add3A, %dma_start3A_18, %dma_start3A_19] : memref<32x79x128xi32, #tpu.memory_space<hbm>> -> memref<1x79x128xi32, #tpu.memory_space<hbm>>
      %dma_start3A_21 = tpu.memref_squeeze %dma_start3A_20 : memref<1x79x128xi32, #tpu.memory_space<hbm>> -> memref<79x128xi32, #tpu.memory_space<hbm>>
      tpu.enqueue_dma source(%dma_start3A_21 : memref<79x128xi32, #tpu.memory_space<hbm>>) target(%arg7 : memref<79x128xi32, #tpu.memory_space<vmem>>) target_semaphore(%run_scoped3A : memref<!tpu.dma_semaphore, #tpu.memory_space<semaphore_mem>>)
      %dma_wait3A = arith.constant 0 : i32
      %dma_wait3A_22 = arith.constant 0 : i32
      %dma_wait3A_23 = tpu.memref_slice %arg3[%add3A, %dma_wait3A, %dma_wait3A_22] : memref<32x79x128xi32, #tpu.memory_space<hbm>> -> memref<1x79x128xi32, #tpu.memory_space<hbm>>
      %dma_wait3A_24 = tpu.memref_squeeze %dma_wait3A_23 : memref<1x79x128xi32, #tpu.memory_space<hbm>> -> memref<79x128xi32, #tpu.memory_space<hbm>>
      %dma_wait3A_25 = arith.constant 0 : i32
      %dma_wait3A_26 = arith.constant 0 : i32
      %dma_wait3A_27 = tpu.memref_slice %arg3[%add3A, %dma_wait3A_25, %dma_wait3A_26] : memref<32x79x128xi32, #tpu.memory_space<hbm>> -> memref<1x79x128xi32, #tpu.memory_space<hbm>>
      %dma_wait3A_28 = tpu.memref_squeeze %dma_wait3A_27 : memref<1x79x128xi32, #tpu.memory_space<hbm>> -> memref<79x128xi32, #tpu.memory_space<hbm>>
      tpu.wait_dma2 semaphore(%run_scoped3A : memref<!tpu.dma_semaphore, #tpu.memory_space<semaphore_mem>>) src(%dma_wait3A_28 : memref<79x128xi32, #tpu.memory_space<hbm>>) dst(%arg7 : memref<79x128xi32, #tpu.memory_space<vmem>>)
      tpu.yield
    }) : () -> ()
    "tpu.region"() ({
      %run_scoped3A = tpu.sem_alloc : memref<!tpu.dma_semaphore, #tpu.memory_space<semaphore_mem>>
      %dma_start3A = arith.constant 0 : i32
      %dma_start3A_15 = arith.constant 0 : i32
      %dma_start3A_16 = tpu.memref_slice %arg4[%add3A, %dma_start3A, %dma_start3A_15] : memref<32x79x128xi32, #tpu.memory_space<hbm>> -> memref<1x79x128xi32, #tpu.memory_space<hbm>>
      %dma_start3A_17 = tpu.memref_squeeze %dma_start3A_16 : memref<1x79x128xi32, #tpu.memory_space<hbm>> -> memref<79x128xi32, #tpu.memory_space<hbm>>
      %dma_start3A_18 = arith.constant 0 : i32
      %dma_start3A_19 = arith.constant 0 : i32
      %dma_start3A_20 = tpu.memref_slice %arg4[%add3A, %dma_start3A_18, %dma_start3A_19] : memref<32x79x128xi32, #tpu.memory_space<hbm>> -> memref<1x79x128xi32, #tpu.memory_space<hbm>>
      %dma_start3A_21 = tpu.memref_squeeze %dma_start3A_20 : memref<1x79x128xi32, #tpu.memory_space<hbm>> -> memref<79x128xi32, #tpu.memory_space<hbm>>
      tpu.enqueue_dma source(%dma_start3A_21 : memref<79x128xi32, #tpu.memory_space<hbm>>) target(%arg8 : memref<79x128xi32, #tpu.memory_space<vmem>>) target_semaphore(%run_scoped3A : memref<!tpu.dma_semaphore, #tpu.memory_space<semaphore_mem>>)
      %dma_wait3A = arith.constant 0 : i32
      %dma_wait3A_22 = arith.constant 0 : i32
      %dma_wait3A_23 = tpu.memref_slice %arg4[%add3A, %dma_wait3A, %dma_wait3A_22] : memref<32x79x128xi32, #tpu.memory_space<hbm>> -> memref<1x79x128xi32, #tpu.memory_space<hbm>>
      %dma_wait3A_24 = tpu.memref_squeeze %dma_wait3A_23 : memref<1x79x128xi32, #tpu.memory_space<hbm>> -> memref<79x128xi32, #tpu.memory_space<hbm>>
      %dma_wait3A_25 = arith.constant 0 : i32
      %dma_wait3A_26 = arith.constant 0 : i32
      %dma_wait3A_27 = tpu.memref_slice %arg4[%add3A, %dma_wait3A_25, %dma_wait3A_26] : memref<32x79x128xi32, #tpu.memory_space<hbm>> -> memref<1x79x128xi32, #tpu.memory_space<hbm>>
      %dma_wait3A_28 = tpu.memref_squeeze %dma_wait3A_27 : memref<1x79x128xi32, #tpu.memory_space<hbm>> -> memref<79x128xi32, #tpu.memory_space<hbm>>
      tpu.wait_dma2 semaphore(%run_scoped3A : memref<!tpu.dma_semaphore, #tpu.memory_space<semaphore_mem>>) src(%dma_wait3A_28 : memref<79x128xi32, #tpu.memory_space<hbm>>) dst(%arg8 : memref<79x128xi32, #tpu.memory_space<vmem>>)
      tpu.yield
    }) : () -> ()
    %barrier3A = arith.constant 0 : index
    tpu.barrier barrier_id(%barrier3A)
    %scan3A = arith.constant 0 : i32
    %scan3A_3 = arith.constant 0 : i32
    %scan3A_4 = arith.constant 79 : i32
    %scan3A_5 = arith.addi %scan3A_3, %scan3A_4 : i32
    %scan3A_6 = arith.constant 1 : i32
    scf.for %scan3A_15 = %scan3A_3 to %scan3A_5 step %scan3A_6  : i32 {
      %dma_start3A = arith.constant 0 : i32
      %dma_start3A_16 = tpu.memref_slice %arg7[%scan3A_15, %dma_start3A] : memref<79x128xi32, #tpu.memory_space<vmem>> -> memref<1x128xi32, #tpu.memory_space<vmem>>
      %dma_start3A_17 = tpu.memref_squeeze %dma_start3A_16 : memref<1x128xi32, #tpu.memory_space<vmem>> -> memref<128xi32, #tpu.memory_space<vmem>>
      %dma_start3A_18 = arith.constant 0 : i32
      %dma_start3A_19 = arith.constant 0 : i32
      %dma_start3A_20 = tpu.memref_slice %arg2[%dma_start3A_18, %dma_start3A_19] : memref<10000x128xf32, #tpu.memory_space<hbm>> -> memref<10000x128xf32, #tpu.memory_space<hbm>>
      tpu.enqueue_indirect_dma source(%dma_start3A_20 : memref<10000x128xf32, #tpu.memory_space<hbm>>) target(%arg9 : memref<128x128xf32, #tpu.memory_space<vmem>>) offsets(%dma_start3A_17 : memref<128xi32, #tpu.memory_space<vmem>>) semaphore(%arg11 : memref<!tpu.dma_semaphore, #tpu.memory_space<semaphore_mem>>)
      %dma_wait3A = arith.constant 0 : i32
      %dma_wait3A_21 = tpu.memref_slice %arg7[%scan3A_15, %dma_wait3A] : memref<79x128xi32, #tpu.memory_space<vmem>> -> memref<1x128xi32, #tpu.memory_space<vmem>>
      %dma_wait3A_22 = tpu.memref_squeeze %dma_wait3A_21 : memref<1x128xi32, #tpu.memory_space<vmem>> -> memref<128xi32, #tpu.memory_space<vmem>>
      %dma_wait3A_23 = arith.constant 0 : i32
      %dma_wait3A_24 = arith.constant 0 : i32
      %dma_wait3A_25 = tpu.memref_slice %arg2[%dma_wait3A_23, %dma_wait3A_24] : memref<10000x128xf32, #tpu.memory_space<hbm>> -> memref<10000x128xf32, #tpu.memory_space<hbm>>
      tpu.wait_indirect_dma semaphore(%arg11 : memref<!tpu.dma_semaphore, #tpu.memory_space<semaphore_mem>>) src(%dma_wait3A_25 : memref<10000x128xf32, #tpu.memory_space<hbm>>) dst(%arg9 : memref<128x128xf32, #tpu.memory_space<vmem>>)
      "tpu.region"() ({
        %run_scoped3A = tpu.sem_alloc : memref<!tpu.dma_semaphore, #tpu.memory_space<semaphore_mem>>
        %dma_start3A_26 = arith.constant 0 : i32
        %dma_start3A_27 = tpu.memref_slice %arg8[%scan3A_15, %dma_start3A_26] : memref<79x128xi32, #tpu.memory_space<vmem>> -> memref<1x128xi32, #tpu.memory_space<vmem>>
        %dma_start3A_28 = tpu.memref_squeeze %dma_start3A_27 : memref<1x128xi32, #tpu.memory_space<vmem>> -> memref<128xi32, #tpu.memory_space<vmem>>
        %dma_start3A_29 = arith.constant 0 : i32
        %dma_start3A_30 = arith.constant 0 : i32
        %dma_start3A_31 = tpu.memref_slice %arg10[%dma_start3A_29, %dma_start3A_30] : memref<10112x128xf32, #tpu.memory_space<vmem_shared>> -> memref<10112x128xf32, #tpu.memory_space<vmem_shared>>
        tpu.enqueue_indirect_dma source(%arg9 : memref<128x128xf32, #tpu.memory_space<vmem>>) target(%dma_start3A_31 : memref<10112x128xf32, #tpu.memory_space<vmem_shared>>) offsets(%dma_start3A_28 : memref<128xi32, #tpu.memory_space<vmem>>) semaphore(%run_scoped3A : memref<!tpu.dma_semaphore, #tpu.memory_space<semaphore_mem>>) {add = true}
        %dma_wait3A_32 = arith.constant 0 : i32
        %dma_wait3A_33 = tpu.memref_slice %arg8[%scan3A_15, %dma_wait3A_32] : memref<79x128xi32, #tpu.memory_space<vmem>> -> memref<1x128xi32, #tpu.memory_space<vmem>>
        %dma_wait3A_34 = tpu.memref_squeeze %dma_wait3A_33 : memref<1x128xi32, #tpu.memory_space<vmem>> -> memref<128xi32, #tpu.memory_space<vmem>>
        %dma_wait3A_35 = arith.constant 0 : i32
        %dma_wait3A_36 = arith.constant 0 : i32
        %dma_wait3A_37 = tpu.memref_slice %arg10[%dma_wait3A_35, %dma_wait3A_36] : memref<10112x128xf32, #tpu.memory_space<vmem_shared>> -> memref<10112x128xf32, #tpu.memory_space<vmem_shared>>
        tpu.wait_indirect_dma semaphore(%run_scoped3A : memref<!tpu.dma_semaphore, #tpu.memory_space<semaphore_mem>>) src(%arg9 : memref<128x128xf32, #tpu.memory_space<vmem>>) dst(%dma_wait3A_37 : memref<10112x128xf32, #tpu.memory_space<vmem_shared>>)
        tpu.yield
      }) : () -> ()
    }
    %scan3A_7 = arith.constant 79 : i32
    %barrier3A_8 = arith.constant 0 : index
    tpu.barrier barrier_id(%barrier3A_8)
    %lt3A = arith.constant 15 : i32
    %lt3A_9 = arith.cmpi slt, %arg1, %lt3A : i32
    %convert_element_type3A = arith.extui %lt3A_9 : i1 to i32
    %cond3A = arith.constant 0 : i32
    %cond3A_10 = arith.cmpi ne, %convert_element_type3A, %cond3A : i32
    scf.if %cond3A_10 {
      %mul3A_15 = arith.constant 632 : i32
      %mul3A_16 = arith.muli %arg1, %mul3A_15 : i32
      %mul3A_17 = arith.constant 632 : i32
      %mul3A_18 = arith.muli %arg1, %mul3A_17 : i32
      "tpu.region"() ({
        %run_scoped3A = tpu.sem_alloc : memref<!tpu.dma_semaphore, #tpu.memory_space<semaphore_mem>>
        %dma_start3A = arith.constant 0 : i32
        %dma_start3A_19 = tpu.memref_slice %arg6[%arg0, %mul3A_18, %dma_start3A] : memref<2x10000x128xf32, #tpu.memory_space<hbm>> -> memref<1x632x128xf32, #tpu.memory_space<hbm>>
        %dma_start3A_20 = tpu.memref_squeeze %dma_start3A_19 : memref<1x632x128xf32, #tpu.memory_space<hbm>> -> memref<632x128xf32, #tpu.memory_space<hbm>>
        %dma_start3A_21 = arith.constant 0 : i32
        %dma_start3A_22 = tpu.memref_slice %arg10[%mul3A_16, %dma_start3A_21] : memref<10112x128xf32, #tpu.memory_space<vmem_shared>> -> memref<632x128xf32, #tpu.memory_space<vmem_shared>>
        tpu.enqueue_dma source(%dma_start3A_22 : memref<632x128xf32, #tpu.memory_space<vmem_shared>>) target(%dma_start3A_20 : memref<632x128xf32, #tpu.memory_space<hbm>>) target_semaphore(%run_scoped3A : memref<!tpu.dma_semaphore, #tpu.memory_space<semaphore_mem>>)
        %dma_wait3A = arith.constant 0 : i32
        %dma_wait3A_23 = tpu.memref_slice %arg6[%arg0, %mul3A_18, %dma_wait3A] : memref<2x10000x128xf32, #tpu.memory_space<hbm>> -> memref<1x632x128xf32, #tpu.memory_space<hbm>>
        %dma_wait3A_24 = tpu.memref_squeeze %dma_wait3A_23 : memref<1x632x128xf32, #tpu.memory_space<hbm>> -> memref<632x128xf32, #tpu.memory_space<hbm>>
        %dma_wait3A_25 = arith.constant 0 : i32
        %dma_wait3A_26 = tpu.memref_slice %arg10[%mul3A_16, %dma_wait3A_25] : memref<10112x128xf32, #tpu.memory_space<vmem_shared>> -> memref<632x128xf32, #tpu.memory_space<vmem_shared>>
        tpu.wait_dma2 semaphore(%run_scoped3A : memref<!tpu.dma_semaphore, #tpu.memory_space<semaphore_mem>>) src(%dma_wait3A_26 : memref<632x128xf32, #tpu.memory_space<vmem_shared>>) dst(%dma_wait3A_24 : memref<632x128xf32, #tpu.memory_space<hbm>>)
        tpu.yield
      }) : () -> ()
    } else {
    }
    %eq3A = arith.constant 15 : i32
    %eq3A_11 = arith.cmpi eq, %arg1, %eq3A : i32
    %convert_element_type3A_12 = arith.extui %eq3A_11 : i1 to i32
    %cond3A_13 = arith.constant 0 : i32
    %cond3A_14 = arith.cmpi ne, %convert_element_type3A_12, %cond3A_13 : i32
    scf.if %cond3A_14 {
      "tpu.region"() ({
        %run_scoped3A = tpu.sem_alloc : memref<!tpu.dma_semaphore, #tpu.memory_space<semaphore_mem>>
        %dma_start3A = arith.constant 9480 : i32
        %dma_start3A_15 = arith.constant 0 : i32
        %dma_start3A_16 = tpu.memref_slice %arg6[%arg0, %dma_start3A, %dma_start3A_15] : memref<2x10000x128xf32, #tpu.memory_space<hbm>> -> memref<1x520x128xf32, #tpu.memory_space<hbm>>
        %dma_start3A_17 = tpu.memref_squeeze %dma_start3A_16 : memref<1x520x128xf32, #tpu.memory_space<hbm>> -> memref<520x128xf32, #tpu.memory_space<hbm>>
        %dma_start3A_18 = arith.constant 9480 : i32
        %dma_start3A_19 = arith.constant 0 : i32
        %dma_start3A_20 = tpu.memref_slice %arg10[%dma_start3A_18, %dma_start3A_19] : memref<10112x128xf32, #tpu.memory_space<vmem_shared>> -> memref<520x128xf32, #tpu.memory_space<vmem_shared>>
        tpu.enqueue_dma source(%dma_start3A_20 : memref<520x128xf32, #tpu.memory_space<vmem_shared>>) target(%dma_start3A_17 : memref<520x128xf32, #tpu.memory_space<hbm>>) target_semaphore(%run_scoped3A : memref<!tpu.dma_semaphore, #tpu.memory_space<semaphore_mem>>)
        %dma_wait3A = arith.constant 9480 : i32
        %dma_wait3A_21 = arith.constant 0 : i32
        %dma_wait3A_22 = tpu.memref_slice %arg6[%arg0, %dma_wait3A, %dma_wait3A_21] : memref<2x10000x128xf32, #tpu.memory_space<hbm>> -> memref<1x520x128xf32, #tpu.memory_space<hbm>>
        %dma_wait3A_23 = tpu.memref_squeeze %dma_wait3A_22 : memref<1x520x128xf32, #tpu.memory_space<hbm>> -> memref<520x128xf32, #tpu.memory_space<hbm>>
        %dma_wait3A_24 = arith.constant 9480 : i32
        %dma_wait3A_25 = arith.constant 0 : i32
        %dma_wait3A_26 = tpu.memref_slice %arg10[%dma_wait3A_24, %dma_wait3A_25] : memref<10112x128xf32, #tpu.memory_space<vmem_shared>> -> memref<520x128xf32, #tpu.memory_space<vmem_shared>>
        tpu.wait_dma2 semaphore(%run_scoped3A : memref<!tpu.dma_semaphore, #tpu.memory_space<semaphore_mem>>) src(%dma_wait3A_26 : memref<520x128xf32, #tpu.memory_space<vmem_shared>>) dst(%dma_wait3A_23 : memref<520x128xf32, #tpu.memory_space<hbm>>)
        tpu.yield
      }) : () -> ()
    } else {
    }
    return
  }
}

#map = affine_map<(d0, d1) -> (0, 0)>
#map1 = affine_map<(d0, d1) -> (0, 0, 0)>
module attributes {stable_mosaic.version = 14 : i64} {
  func.func @spmm(%arg0: i32, %arg1: i32, %arg2: memref<10000x128xf32, #tpu.memory_space<hbm>>, %arg3: memref<32x79x128xi32, #tpu.memory_space<hbm>>, %arg4: memref<32x79x128xi32, #tpu.memory_space<hbm>>, %arg5: memref<632x128xf32, #tpu.memory_space<hbm>>, %arg6: memref<2x10000x128xf32, #tpu.memory_space<hbm>>, %arg7: memref<79x128xi32, #tpu.memory_space<vmem>>, %arg8: memref<79x128xi32, #tpu.memory_space<vmem>>, %arg9: memref<128x128xf32, #tpu.memory_space<vmem>>, %arg10: memref<10112x128xf32, #tpu.memory_space<vmem_shared>>, %arg11: memref<!tpu.dma_semaphore, #tpu.memory_space<semaphore_mem>>) attributes {dimension_semantics = [#tpu.dimension_semantics<core_parallel>, #tpu.dimension_semantics<subcore_parallel>], iteration_bounds = array<i64: 2, 16>, scalar_prefetch = 0 : i64, scratch_operands = 5 : i64, tpu.core_type = #tpu.core_type<sc_vector_subcore>, window_params = [{transform_indices = #map}, {transform_indices = #map1}, {transform_indices = #map1}, {transform_indices = #map}, {transform_indices = #map1}]} {
    %mul3A = arith.constant 16 : i32
    %mul3A_0 = arith.muli %arg0, %mul3A : i32
    %add3A = arith.addi %mul3A_0, %arg1 : i32
    %mul3A_1 = arith.constant 632 : i32
    %mul3A_2 = arith.muli %arg1, %mul3A_1 : i32
    "tpu.region"() ({
      %run_scoped3A = tpu.sem_alloc : memref<!tpu.dma_semaphore, #tpu.memory_space<semaphore_mem>>
      %dma_start3A = arith.constant 0 : i32
      %dma_start3A_15 = tpu.memref_slice %arg10[%mul3A_2, %dma_start3A] : memref<10112x128xf32, #tpu.memory_space<vmem_shared>> -> memref<632x128xf32, #tpu.memory_space<vmem_shared>>
      tpu.enqueue_dma source(%arg5 : memref<632x128xf32, #tpu.memory_space<hbm>>) target(%dma_start3A_15 : memref<632x128xf32, #tpu.memory_space<vmem_shared>>) target_semaphore(%run_scoped3A : memref<!tpu.dma_semaphore, #tpu.memory_space<semaphore_mem>>)
      %dma_wait3A = arith.constant 0 : i32
      %dma_wait3A_16 = tpu.memref_slice %arg10[%mul3A_2, %dma_wait3A] : memref<10112x128xf32, #tpu.memory_space<vmem_shared>> -> memref<632x128xf32, #tpu.memory_space<vmem_shared>>
      tpu.wait_dma2 semaphore(%run_scoped3A : memref<!tpu.dma_semaphore, #tpu.memory_space<semaphore_mem>>) src(%arg5 : memref<632x128xf32, #tpu.memory_space<hbm>>) dst(%dma_wait3A_16 : memref<632x128xf32, #tpu.memory_space<vmem_shared>>)
      tpu.yield
    }) : () -> ()
    "tpu.region"() ({
      %run_scoped3A = tpu.sem_alloc : memref<!tpu.dma_semaphore, #tpu.memory_space<semaphore_mem>>
      %dma_start3A = arith.constant 0 : i32
      %dma_start3A_15 = arith.constant 0 : i32
      %dma_start3A_16 = tpu.memref_slice %arg3[%add3A, %dma_start3A, %dma_start3A_15] : memref<32x79x128xi32, #tpu.memory_space<hbm>> -> memref<1x79x128xi32, #tpu.memory_space<hbm>>
      %dma_start3A_17 = tpu.memref_squeeze %dma_start3A_16 : memref<1x79x128xi32, #tpu.memory_space<hbm>> -> memref<79x128xi32, #tpu.memory_space<hbm>>
      %dma_start3A_18 = arith.constant 0 : i32
      %dma_start3A_19 = arith.constant 0 : i32
      %dma_start3A_20 = tpu.memref_slice %arg3[%add3A, %dma_start3A_18, %dma_start3A_19] : memref<32x79x128xi32, #tpu.memory_space<hbm>> -> memref<1x79x128xi32, #tpu.memory_space<hbm>>
      %dma_start3A_21 = tpu.memref_squeeze %dma_start3A_20 : memref<1x79x128xi32, #tpu.memory_space<hbm>> -> memref<79x128xi32, #tpu.memory_space<hbm>>
      tpu.enqueue_dma source(%dma_start3A_21 : memref<79x128xi32, #tpu.memory_space<hbm>>) target(%arg7 : memref<79x128xi32, #tpu.memory_space<vmem>>) target_semaphore(%run_scoped3A : memref<!tpu.dma_semaphore, #tpu.memory_space<semaphore_mem>>)
      %dma_wait3A = arith.constant 0 : i32
      %dma_wait3A_22 = arith.constant 0 : i32
      %dma_wait3A_23 = tpu.memref_slice %arg3[%add3A, %dma_wait3A, %dma_wait3A_22] : memref<32x79x128xi32, #tpu.memory_space<hbm>> -> memref<1x79x128xi32, #tpu.memory_space<hbm>>
      %dma_wait3A_24 = tpu.memref_squeeze %dma_wait3A_23 : memref<1x79x128xi32, #tpu.memory_space<hbm>> -> memref<79x128xi32, #tpu.memory_space<hbm>>
      %dma_wait3A_25 = arith.constant 0 : i32
      %dma_wait3A_26 = arith.constant 0 : i32
      %dma_wait3A_27 = tpu.memref_slice %arg3[%add3A, %dma_wait3A_25, %dma_wait3A_26] : memref<32x79x128xi32, #tpu.memory_space<hbm>> -> memref<1x79x128xi32, #tpu.memory_space<hbm>>
      %dma_wait3A_28 = tpu.memref_squeeze %dma_wait3A_27 : memref<1x79x128xi32, #tpu.memory_space<hbm>> -> memref<79x128xi32, #tpu.memory_space<hbm>>
      tpu.wait_dma2 semaphore(%run_scoped3A : memref<!tpu.dma_semaphore, #tpu.memory_space<semaphore_mem>>) src(%dma_wait3A_28 : memref<79x128xi32, #tpu.memory_space<hbm>>) dst(%arg7 : memref<79x128xi32, #tpu.memory_space<vmem>>)
      tpu.yield
    }) : () -> ()
    "tpu.region"() ({
      %run_scoped3A = tpu.sem_alloc : memref<!tpu.dma_semaphore, #tpu.memory_space<semaphore_mem>>
      %dma_start3A = arith.constant 0 : i32
      %dma_start3A_15 = arith.constant 0 : i32
      %dma_start3A_16 = tpu.memref_slice %arg4[%add3A, %dma_start3A, %dma_start3A_15] : memref<32x79x128xi32, #tpu.memory_space<hbm>> -> memref<1x79x128xi32, #tpu.memory_space<hbm>>
      %dma_start3A_17 = tpu.memref_squeeze %dma_start3A_16 : memref<1x79x128xi32, #tpu.memory_space<hbm>> -> memref<79x128xi32, #tpu.memory_space<hbm>>
      %dma_start3A_18 = arith.constant 0 : i32
      %dma_start3A_19 = arith.constant 0 : i32
      %dma_start3A_20 = tpu.memref_slice %arg4[%add3A, %dma_start3A_18, %dma_start3A_19] : memref<32x79x128xi32, #tpu.memory_space<hbm>> -> memref<1x79x128xi32, #tpu.memory_space<hbm>>
      %dma_start3A_21 = tpu.memref_squeeze %dma_start3A_20 : memref<1x79x128xi32, #tpu.memory_space<hbm>> -> memref<79x128xi32, #tpu.memory_space<hbm>>
      tpu.enqueue_dma source(%dma_start3A_21 : memref<79x128xi32, #tpu.memory_space<hbm>>) target(%arg8 : memref<79x128xi32, #tpu.memory_space<vmem>>) target_semaphore(%run_scoped3A : memref<!tpu.dma_semaphore, #tpu.memory_space<semaphore_mem>>)
      %dma_wait3A = arith.constant 0 : i32
      %dma_wait3A_22 = arith.constant 0 : i32
      %dma_wait3A_23 = tpu.memref_slice %arg4[%add3A, %dma_wait3A, %dma_wait3A_22] : memref<32x79x128xi32, #tpu.memory_space<hbm>> -> memref<1x79x128xi32, #tpu.memory_space<hbm>>
      %dma_wait3A_24 = tpu.memref_squeeze %dma_wait3A_23 : memref<1x79x128xi32, #tpu.memory_space<hbm>> -> memref<79x128xi32, #tpu.memory_space<hbm>>
      %dma_wait3A_25 = arith.constant 0 : i32
      %dma_wait3A_26 = arith.constant 0 : i32
      %dma_wait3A_27 = tpu.memref_slice %arg4[%add3A, %dma_wait3A_25, %dma_wait3A_26] : memref<32x79x128xi32, #tpu.memory_space<hbm>> -> memref<1x79x128xi32, #tpu.memory_space<hbm>>
      %dma_wait3A_28 = tpu.memref_squeeze %dma_wait3A_27 : memref<1x79x128xi32, #tpu.memory_space<hbm>> -> memref<79x128xi32, #tpu.memory_space<hbm>>
      tpu.wait_dma2 semaphore(%run_scoped3A : memref<!tpu.dma_semaphore, #tpu.memory_space<semaphore_mem>>) src(%dma_wait3A_28 : memref<79x128xi32, #tpu.memory_space<hbm>>) dst(%arg8 : memref<79x128xi32, #tpu.memory_space<vmem>>)
      tpu.yield
    }) : () -> ()
    %barrier3A = arith.constant 0 : index
    tpu.barrier barrier_id(%barrier3A)
    %scan3A = arith.constant 0 : i32
    %scan3A_3 = arith.constant 0 : i32
    %scan3A_4 = arith.constant 79 : i32
    %scan3A_5 = arith.addi %scan3A_3, %scan3A_4 : i32
    %scan3A_6 = arith.constant 1 : i32
    scf.for %scan3A_15 = %scan3A_3 to %scan3A_5 step %scan3A_6  : i32 {
      %dma_start3A = arith.constant 0 : i32
      %dma_start3A_16 = tpu.memref_slice %arg7[%scan3A_15, %dma_start3A] : memref<79x128xi32, #tpu.memory_space<vmem>> -> memref<1x128xi32, #tpu.memory_space<vmem>>
      %dma_start3A_17 = tpu.memref_squeeze %dma_start3A_16 : memref<1x128xi32, #tpu.memory_space<vmem>> -> memref<128xi32, #tpu.memory_space<vmem>>
      %dma_start3A_18 = arith.constant 0 : i32
      %dma_start3A_19 = arith.constant 0 : i32
      %dma_start3A_20 = tpu.memref_slice %arg2[%dma_start3A_18, %dma_start3A_19] : memref<10000x128xf32, #tpu.memory_space<hbm>> -> memref<10000x128xf32, #tpu.memory_space<hbm>>
      tpu.enqueue_indirect_dma source(%dma_start3A_20 : memref<10000x128xf32, #tpu.memory_space<hbm>>) target(%arg9 : memref<128x128xf32, #tpu.memory_space<vmem>>) offsets(%dma_start3A_17 : memref<128xi32, #tpu.memory_space<vmem>>) semaphore(%arg11 : memref<!tpu.dma_semaphore, #tpu.memory_space<semaphore_mem>>)
      %dma_wait3A = arith.constant 0 : i32
      %dma_wait3A_21 = tpu.memref_slice %arg7[%scan3A_15, %dma_wait3A] : memref<79x128xi32, #tpu.memory_space<vmem>> -> memref<1x128xi32, #tpu.memory_space<vmem>>
      %dma_wait3A_22 = tpu.memref_squeeze %dma_wait3A_21 : memref<1x128xi32, #tpu.memory_space<vmem>> -> memref<128xi32, #tpu.memory_space<vmem>>
      %dma_wait3A_23 = arith.constant 0 : i32
      %dma_wait3A_24 = arith.constant 0 : i32
      %dma_wait3A_25 = tpu.memref_slice %arg2[%dma_wait3A_23, %dma_wait3A_24] : memref<10000x128xf32, #tpu.memory_space<hbm>> -> memref<10000x128xf32, #tpu.memory_space<hbm>>
      tpu.wait_indirect_dma semaphore(%arg11 : memref<!tpu.dma_semaphore, #tpu.memory_space<semaphore_mem>>) src(%dma_wait3A_25 : memref<10000x128xf32, #tpu.memory_space<hbm>>) dst(%arg9 : memref<128x128xf32, #tpu.memory_space<vmem>>)
      "tpu.region"() ({
        %run_scoped3A = tpu.sem_alloc : memref<!tpu.dma_semaphore, #tpu.memory_space<semaphore_mem>>
        %dma_start3A_26 = arith.constant 0 : i32
        %dma_start3A_27 = tpu.memref_slice %arg8[%scan3A_15, %dma_start3A_26] : memref<79x128xi32, #tpu.memory_space<vmem>> -> memref<1x128xi32, #tpu.memory_space<vmem>>
        %dma_start3A_28 = tpu.memref_squeeze %dma_start3A_27 : memref<1x128xi32, #tpu.memory_space<vmem>> -> memref<128xi32, #tpu.memory_space<vmem>>
        %dma_start3A_29 = arith.constant 0 : i32
        %dma_start3A_30 = arith.constant 0 : i32
        %dma_start3A_31 = tpu.memref_slice %arg10[%dma_start3A_29, %dma_start3A_30] : memref<10112x128xf32, #tpu.memory_space<vmem_shared>> -> memref<10112x128xf32, #tpu.memory_space<vmem_shared>>
        tpu.enqueue_indirect_dma source(%arg9 : memref<128x128xf32, #tpu.memory_space<vmem>>) target(%dma_start3A_31 : memref<10112x128xf32, #tpu.memory_space<vmem_shared>>) offsets(%dma_start3A_28 : memref<128xi32, #tpu.memory_space<vmem>>) semaphore(%run_scoped3A : memref<!tpu.dma_semaphore, #tpu.memory_space<semaphore_mem>>) {add = true}
        %dma_wait3A_32 = arith.constant 0 : i32
        %dma_wait3A_33 = tpu.memref_slice %arg8[%scan3A_15, %dma_wait3A_32] : memref<79x128xi32, #tpu.memory_space<vmem>> -> memref<1x128xi32, #tpu.memory_space<vmem>>
        %dma_wait3A_34 = tpu.memref_squeeze %dma_wait3A_33 : memref<1x128xi32, #tpu.memory_space<vmem>> -> memref<128xi32, #tpu.memory_space<vmem>>
        %dma_wait3A_35 = arith.constant 0 : i32
        %dma_wait3A_36 = arith.constant 0 : i32
        %dma_wait3A_37 = tpu.memref_slice %arg10[%dma_wait3A_35, %dma_wait3A_36] : memref<10112x128xf32, #tpu.memory_space<vmem_shared>> -> memref<10112x128xf32, #tpu.memory_space<vmem_shared>>
        tpu.wait_indirect_dma semaphore(%run_scoped3A : memref<!tpu.dma_semaphore, #tpu.memory_space<semaphore_mem>>) src(%arg9 : memref<128x128xf32, #tpu.memory_space<vmem>>) dst(%dma_wait3A_37 : memref<10112x128xf32, #tpu.memory_space<vmem_shared>>)
        tpu.yield
      }) : () -> ()
    }
    %scan3A_7 = arith.constant 79 : i32
    %barrier3A_8 = arith.constant 0 : index
    tpu.barrier barrier_id(%barrier3A_8)
    %lt3A = arith.constant 15 : i32
    %lt3A_9 = arith.cmpi slt, %arg1, %lt3A : i32
    %convert_element_type3A = arith.extui %lt3A_9 : i1 to i32
    %cond3A = arith.constant 0 : i32
    %cond3A_10 = arith.cmpi ne, %convert_element_type3A, %cond3A : i32
    scf.if %cond3A_10 {
      %mul3A_15 = arith.constant 632 : i32
      %mul3A_16 = arith.muli %arg1, %mul3A_15 : i32
      %mul3A_17 = arith.constant 632 : i32
      %mul3A_18 = arith.muli %arg1, %mul3A_17 : i32
      "tpu.region"() ({
        %run_scoped3A = tpu.sem_alloc : memref<!tpu.dma_semaphore, #tpu.memory_space<semaphore_mem>>
        %dma_start3A = arith.constant 0 : i32
        %dma_start3A_19 = tpu.memref_slice %arg6[%arg0, %mul3A_18, %dma_start3A] : memref<2x10000x128xf32, #tpu.memory_space<hbm>> -> memref<1x632x128xf32, #tpu.memory_space<hbm>>
        %dma_start3A_20 = tpu.memref_squeeze %dma_start3A_19 : memref<1x632x128xf32, #tpu.memory_space<hbm>> -> memref<632x128xf32, #tpu.memory_space<hbm>>
        %dma_start3A_21 = arith.constant 0 : i32
        %dma_start3A_22 = tpu.memref_slice %arg10[%mul3A_16, %dma_start3A_21] : memref<10112x128xf32, #tpu.memory_space<vmem_shared>> -> memref<632x128xf32, #tpu.memory_space<vmem_shared>>
        tpu.enqueue_dma source(%dma_start3A_22 : memref<632x128xf32, #tpu.memory_space<vmem_shared>>) target(%dma_start3A_20 : memref<632x128xf32, #tpu.memory_space<hbm>>) target_semaphore(%run_scoped3A : memref<!tpu.dma_semaphore, #tpu.memory_space<semaphore_mem>>)
        %dma_wait3A = arith.constant 0 : i32
        %dma_wait3A_23 = tpu.memref_slice %arg6[%arg0, %mul3A_18, %dma_wait3A] : memref<2x10000x128xf32, #tpu.memory_space<hbm>> -> memref<1x632x128xf32, #tpu.memory_space<hbm>>
        %dma_wait3A_24 = tpu.memref_squeeze %dma_wait3A_23 : memref<1x632x128xf32, #tpu.memory_space<hbm>> -> memref<632x128xf32, #tpu.memory_space<hbm>>
        %dma_wait3A_25 = arith.constant 0 : i32
        %dma_wait3A_26 = tpu.memref_slice %arg10[%mul3A_16, %dma_wait3A_25] : memref<10112x128xf32, #tpu.memory_space<vmem_shared>> -> memref<632x128xf32, #tpu.memory_space<vmem_shared>>
        tpu.wait_dma2 semaphore(%run_scoped3A : memref<!tpu.dma_semaphore, #tpu.memory_space<semaphore_mem>>) src(%dma_wait3A_26 : memref<632x128xf32, #tpu.memory_space<vmem_shared>>) dst(%dma_wait3A_24 : memref<632x128xf32, #tpu.memory_space<hbm>>)
        tpu.yield
      }) : () -> ()
    } else {
    }
    %eq3A = arith.constant 15 : i32
    %eq3A_11 = arith.cmpi eq, %arg1, %eq3A : i32
    %convert_element_type3A_12 = arith.extui %eq3A_11 : i1 to i32
    %cond3A_13 = arith.constant 0 : i32
    %cond3A_14 = arith.cmpi ne, %convert_element_type3A_12, %cond3A_13 : i32
    scf.if %cond3A_14 {
      "tpu.region"() ({
        %run_scoped3A = tpu.sem_alloc : memref<!tpu.dma_semaphore, #tpu.memory_space<semaphore_mem>>
        %dma_start3A = arith.constant 9480 : i32
        %dma_start3A_15 = arith.constant 0 : i32
        %dma_start3A_16 = tpu.memref_slice %arg6[%arg0, %dma_start3A, %dma_start3A_15] : memref<2x10000x128xf32, #tpu.memory_space<hbm>> -> memref<1x520x128xf32, #tpu.memory_space<hbm>>
        %dma_start3A_17 = tpu.memref_squeeze %dma_start3A_16 : memref<1x520x128xf32, #tpu.memory_space<hbm>> -> memref<520x128xf32, #tpu.memory_space<hbm>>
        %dma_start3A_18 = arith.constant 9480 : i32
        %dma_start3A_19 = arith.constant 0 : i32
        %dma_start3A_20 = tpu.memref_slice %arg10[%dma_start3A_18, %dma_start3A_19] : memref<10112x128xf32, #tpu.memory_space<vmem_shared>> -> memref<520x128xf32, #tpu.memory_space<vmem_shared>>
        tpu.enqueue_dma source(%dma_start3A_20 : memref<520x128xf32, #tpu.memory_space<vmem_shared>>) target(%dma_start3A_17 : memref<520x128xf32, #tpu.memory_space<hbm>>) target_semaphore(%run_scoped3A : memref<!tpu.dma_semaphore, #tpu.memory_space<semaphore_mem>>)
        %dma_wait3A = arith.constant 9480 : i32
        %dma_wait3A_21 = arith.constant 0 : i32
        %dma_wait3A_22 = tpu.memref_slice %arg6[%arg0, %dma_wait3A, %dma_wait3A_21] : memref<2x10000x128xf32, #tpu.memory_space<hbm>> -> memref<1x520x128xf32, #tpu.memory_space<hbm>>
        %dma_wait3A_23 = tpu.memref_squeeze %dma_wait3A_22 : memref<1x520x128xf32, #tpu.memory_space<hbm>> -> memref<520x128xf32, #tpu.memory_space<hbm>>
        %dma_wait3A_24 = arith.constant 9480 : i32
        %dma_wait3A_25 = arith.constant 0 : i32
        %dma_wait3A_26 = tpu.memref_slice %arg10[%dma_wait3A_24, %dma_wait3A_25] : memref<10112x128xf32, #tpu.memory_space<vmem_shared>> -> memref<520x128xf32, #tpu.memory_space<vmem_shared>>
        tpu.wait_dma2 semaphore(%run_scoped3A : memref<!tpu.dma_semaphore, #tpu.memory_space<semaphore_mem>>) src(%dma_wait3A_26 : memref<520x128xf32, #tpu.memory_space<vmem_shared>>) dst(%dma_wait3A_23 : memref<520x128xf32, #tpu.memory_space<hbm>>)
        tpu.yield
      }) : () -> ()
    } else {
    }
    return
  }
}

#map = affine_map<(d0, d1) -> (0, 0)>
#map1 = affine_map<(d0, d1) -> (0, 0, 0)>
module attributes {stable_mosaic.version = 14 : i64} {
  func.func @spmm(%arg0: i32, %arg1: i32, %arg2: memref<10000x128xf32, #tpu.memory_space<hbm>>, %arg3: memref<32x79x128xi32, #tpu.memory_space<hbm>>, %arg4: memref<32x79x128xi32, #tpu.memory_space<hbm>>, %arg5: memref<632x128xf32, #tpu.memory_space<hbm>>, %arg6: memref<2x10000x128xf32, #tpu.memory_space<hbm>>, %arg7: memref<79x128xi32, #tpu.memory_space<vmem>>, %arg8: memref<79x128xi32, #tpu.memory_space<vmem>>, %arg9: memref<128x128xf32, #tpu.memory_space<vmem>>, %arg10: memref<10112x128xf32, #tpu.memory_space<vmem_shared>>, %arg11: memref<!tpu.dma_semaphore, #tpu.memory_space<semaphore_mem>>) attributes {dimension_semantics = [#tpu.dimension_semantics<core_parallel>, #tpu.dimension_semantics<subcore_parallel>], iteration_bounds = array<i64: 2, 16>, scalar_prefetch = 0 : i64, scratch_operands = 5 : i64, tpu.core_type = #tpu.core_type<sc_vector_subcore>, window_params = [{transform_indices = #map}, {transform_indices = #map1}, {transform_indices = #map1}, {transform_indices = #map}, {transform_indices = #map1}]} {
    %mul3A = arith.constant 16 : i32
    %mul3A_0 = arith.muli %arg0, %mul3A : i32
    %add3A = arith.addi %mul3A_0, %arg1 : i32
    %mul3A_1 = arith.constant 632 : i32
    %mul3A_2 = arith.muli %arg1, %mul3A_1 : i32
    "tpu.region"() ({
      %run_scoped3A = tpu.sem_alloc : memref<!tpu.dma_semaphore, #tpu.memory_space<semaphore_mem>>
      %dma_start3A = arith.constant 0 : i32
      %dma_start3A_15 = tpu.memref_slice %arg10[%mul3A_2, %dma_start3A] : memref<10112x128xf32, #tpu.memory_space<vmem_shared>> -> memref<632x128xf32, #tpu.memory_space<vmem_shared>>
      tpu.enqueue_dma source(%arg5 : memref<632x128xf32, #tpu.memory_space<hbm>>) target(%dma_start3A_15 : memref<632x128xf32, #tpu.memory_space<vmem_shared>>) target_semaphore(%run_scoped3A : memref<!tpu.dma_semaphore, #tpu.memory_space<semaphore_mem>>)
      %dma_wait3A = arith.constant 0 : i32
      %dma_wait3A_16 = tpu.memref_slice %arg10[%mul3A_2, %dma_wait3A] : memref<10112x128xf32, #tpu.memory_space<vmem_shared>> -> memref<632x128xf32, #tpu.memory_space<vmem_shared>>
      tpu.wait_dma2 semaphore(%run_scoped3A : memref<!tpu.dma_semaphore, #tpu.memory_space<semaphore_mem>>) src(%arg5 : memref<632x128xf32, #tpu.memory_space<hbm>>) dst(%dma_wait3A_16 : memref<632x128xf32, #tpu.memory_space<vmem_shared>>)
      tpu.yield
    }) : () -> ()
    "tpu.region"() ({
      %run_scoped3A = tpu.sem_alloc : memref<!tpu.dma_semaphore, #tpu.memory_space<semaphore_mem>>
      %dma_start3A = arith.constant 0 : i32
      %dma_start3A_15 = arith.constant 0 : i32
      %dma_start3A_16 = tpu.memref_slice %arg3[%add3A, %dma_start3A, %dma_start3A_15] : memref<32x79x128xi32, #tpu.memory_space<hbm>> -> memref<1x79x128xi32, #tpu.memory_space<hbm>>
      %dma_start3A_17 = tpu.memref_squeeze %dma_start3A_16 : memref<1x79x128xi32, #tpu.memory_space<hbm>> -> memref<79x128xi32, #tpu.memory_space<hbm>>
      %dma_start3A_18 = arith.constant 0 : i32
      %dma_start3A_19 = arith.constant 0 : i32
      %dma_start3A_20 = tpu.memref_slice %arg3[%add3A, %dma_start3A_18, %dma_start3A_19] : memref<32x79x128xi32, #tpu.memory_space<hbm>> -> memref<1x79x128xi32, #tpu.memory_space<hbm>>
      %dma_start3A_21 = tpu.memref_squeeze %dma_start3A_20 : memref<1x79x128xi32, #tpu.memory_space<hbm>> -> memref<79x128xi32, #tpu.memory_space<hbm>>
      tpu.enqueue_dma source(%dma_start3A_21 : memref<79x128xi32, #tpu.memory_space<hbm>>) target(%arg7 : memref<79x128xi32, #tpu.memory_space<vmem>>) target_semaphore(%run_scoped3A : memref<!tpu.dma_semaphore, #tpu.memory_space<semaphore_mem>>)
      %dma_wait3A = arith.constant 0 : i32
      %dma_wait3A_22 = arith.constant 0 : i32
      %dma_wait3A_23 = tpu.memref_slice %arg3[%add3A, %dma_wait3A, %dma_wait3A_22] : memref<32x79x128xi32, #tpu.memory_space<hbm>> -> memref<1x79x128xi32, #tpu.memory_space<hbm>>
      %dma_wait3A_24 = tpu.memref_squeeze %dma_wait3A_23 : memref<1x79x128xi32, #tpu.memory_space<hbm>> -> memref<79x128xi32, #tpu.memory_space<hbm>>
      %dma_wait3A_25 = arith.constant 0 : i32
      %dma_wait3A_26 = arith.constant 0 : i32
      %dma_wait3A_27 = tpu.memref_slice %arg3[%add3A, %dma_wait3A_25, %dma_wait3A_26] : memref<32x79x128xi32, #tpu.memory_space<hbm>> -> memref<1x79x128xi32, #tpu.memory_space<hbm>>
      %dma_wait3A_28 = tpu.memref_squeeze %dma_wait3A_27 : memref<1x79x128xi32, #tpu.memory_space<hbm>> -> memref<79x128xi32, #tpu.memory_space<hbm>>
      tpu.wait_dma2 semaphore(%run_scoped3A : memref<!tpu.dma_semaphore, #tpu.memory_space<semaphore_mem>>) src(%dma_wait3A_28 : memref<79x128xi32, #tpu.memory_space<hbm>>) dst(%arg7 : memref<79x128xi32, #tpu.memory_space<vmem>>)
      tpu.yield
    }) : () -> ()
    "tpu.region"() ({
      %run_scoped3A = tpu.sem_alloc : memref<!tpu.dma_semaphore, #tpu.memory_space<semaphore_mem>>
      %dma_start3A = arith.constant 0 : i32
      %dma_start3A_15 = arith.constant 0 : i32
      %dma_start3A_16 = tpu.memref_slice %arg4[%add3A, %dma_start3A, %dma_start3A_15] : memref<32x79x128xi32, #tpu.memory_space<hbm>> -> memref<1x79x128xi32, #tpu.memory_space<hbm>>
      %dma_start3A_17 = tpu.memref_squeeze %dma_start3A_16 : memref<1x79x128xi32, #tpu.memory_space<hbm>> -> memref<79x128xi32, #tpu.memory_space<hbm>>
      %dma_start3A_18 = arith.constant 0 : i32
      %dma_start3A_19 = arith.constant 0 : i32
      %dma_start3A_20 = tpu.memref_slice %arg4[%add3A, %dma_start3A_18, %dma_start3A_19] : memref<32x79x128xi32, #tpu.memory_space<hbm>> -> memref<1x79x128xi32, #tpu.memory_space<hbm>>
      %dma_start3A_21 = tpu.memref_squeeze %dma_start3A_20 : memref<1x79x128xi32, #tpu.memory_space<hbm>> -> memref<79x128xi32, #tpu.memory_space<hbm>>
      tpu.enqueue_dma source(%dma_start3A_21 : memref<79x128xi32, #tpu.memory_space<hbm>>) target(%arg8 : memref<79x128xi32, #tpu.memory_space<vmem>>) target_semaphore(%run_scoped3A : memref<!tpu.dma_semaphore, #tpu.memory_space<semaphore_mem>>)
      %dma_wait3A = arith.constant 0 : i32
      %dma_wait3A_22 = arith.constant 0 : i32
      %dma_wait3A_23 = tpu.memref_slice %arg4[%add3A, %dma_wait3A, %dma_wait3A_22] : memref<32x79x128xi32, #tpu.memory_space<hbm>> -> memref<1x79x128xi32, #tpu.memory_space<hbm>>
      %dma_wait3A_24 = tpu.memref_squeeze %dma_wait3A_23 : memref<1x79x128xi32, #tpu.memory_space<hbm>> -> memref<79x128xi32, #tpu.memory_space<hbm>>
      %dma_wait3A_25 = arith.constant 0 : i32
      %dma_wait3A_26 = arith.constant 0 : i32
      %dma_wait3A_27 = tpu.memref_slice %arg4[%add3A, %dma_wait3A_25, %dma_wait3A_26] : memref<32x79x128xi32, #tpu.memory_space<hbm>> -> memref<1x79x128xi32, #tpu.memory_space<hbm>>
      %dma_wait3A_28 = tpu.memref_squeeze %dma_wait3A_27 : memref<1x79x128xi32, #tpu.memory_space<hbm>> -> memref<79x128xi32, #tpu.memory_space<hbm>>
      tpu.wait_dma2 semaphore(%run_scoped3A : memref<!tpu.dma_semaphore, #tpu.memory_space<semaphore_mem>>) src(%dma_wait3A_28 : memref<79x128xi32, #tpu.memory_space<hbm>>) dst(%arg8 : memref<79x128xi32, #tpu.memory_space<vmem>>)
      tpu.yield
    }) : () -> ()
    %barrier3A = arith.constant 0 : index
    tpu.barrier barrier_id(%barrier3A)
    %scan3A = arith.constant 0 : i32
    %scan3A_3 = arith.constant 0 : i32
    %scan3A_4 = arith.constant 79 : i32
    %scan3A_5 = arith.addi %scan3A_3, %scan3A_4 : i32
    %scan3A_6 = arith.constant 1 : i32
    scf.for %scan3A_15 = %scan3A_3 to %scan3A_5 step %scan3A_6  : i32 {
      %dma_start3A = arith.constant 0 : i32
      %dma_start3A_16 = tpu.memref_slice %arg7[%scan3A_15, %dma_start3A] : memref<79x128xi32, #tpu.memory_space<vmem>> -> memref<1x128xi32, #tpu.memory_space<vmem>>
      %dma_start3A_17 = tpu.memref_squeeze %dma_start3A_16 : memref<1x128xi32, #tpu.memory_space<vmem>> -> memref<128xi32, #tpu.memory_space<vmem>>
      %dma_start3A_18 = arith.constant 0 : i32
      %dma_start3A_19 = arith.constant 0 : i32
      %dma_start3A_20 = tpu.memref_slice %arg2[%dma_start3A_18, %dma_start3A_19] : memref<10000x128xf32, #tpu.memory_space<hbm>> -> memref<10000x128xf32, #tpu.memory_space<hbm>>
      tpu.enqueue_indirect_dma source(%dma_start3A_20 : memref<10000x128xf32, #tpu.memory_space<hbm>>) target(%arg9 : memref<128x128xf32, #tpu.memory_space<vmem>>) offsets(%dma_start3A_17 : memref<128xi32, #tpu.memory_space<vmem>>) semaphore(%arg11 : memref<!tpu.dma_semaphore, #tpu.memory_space<semaphore_mem>>)
      %dma_wait3A = arith.constant 0 : i32
      %dma_wait3A_21 = tpu.memref_slice %arg7[%scan3A_15, %dma_wait3A] : memref<79x128xi32, #tpu.memory_space<vmem>> -> memref<1x128xi32, #tpu.memory_space<vmem>>
      %dma_wait3A_22 = tpu.memref_squeeze %dma_wait3A_21 : memref<1x128xi32, #tpu.memory_space<vmem>> -> memref<128xi32, #tpu.memory_space<vmem>>
      %dma_wait3A_23 = arith.constant 0 : i32
      %dma_wait3A_24 = arith.constant 0 : i32
      %dma_wait3A_25 = tpu.memref_slice %arg2[%dma_wait3A_23, %dma_wait3A_24] : memref<10000x128xf32, #tpu.memory_space<hbm>> -> memref<10000x128xf32, #tpu.memory_space<hbm>>
      tpu.wait_indirect_dma semaphore(%arg11 : memref<!tpu.dma_semaphore, #tpu.memory_space<semaphore_mem>>) src(%dma_wait3A_25 : memref<10000x128xf32, #tpu.memory_space<hbm>>) dst(%arg9 : memref<128x128xf32, #tpu.memory_space<vmem>>)
      "tpu.region"() ({
        %run_scoped3A = tpu.sem_alloc : memref<!tpu.dma_semaphore, #tpu.memory_space<semaphore_mem>>
        %dma_start3A_26 = arith.constant 0 : i32
        %dma_start3A_27 = tpu.memref_slice %arg8[%scan3A_15, %dma_start3A_26] : memref<79x128xi32, #tpu.memory_space<vmem>> -> memref<1x128xi32, #tpu.memory_space<vmem>>
        %dma_start3A_28 = tpu.memref_squeeze %dma_start3A_27 : memref<1x128xi32, #tpu.memory_space<vmem>> -> memref<128xi32, #tpu.memory_space<vmem>>
        %dma_start3A_29 = arith.constant 0 : i32
        %dma_start3A_30 = arith.constant 0 : i32
        %dma_start3A_31 = tpu.memref_slice %arg10[%dma_start3A_29, %dma_start3A_30] : memref<10112x128xf32, #tpu.memory_space<vmem_shared>> -> memref<10112x128xf32, #tpu.memory_space<vmem_shared>>
        tpu.enqueue_indirect_dma source(%arg9 : memref<128x128xf32, #tpu.memory_space<vmem>>) target(%dma_start3A_31 : memref<10112x128xf32, #tpu.memory_space<vmem_shared>>) offsets(%dma_start3A_28 : memref<128xi32, #tpu.memory_space<vmem>>) semaphore(%run_scoped3A : memref<!tpu.dma_semaphore, #tpu.memory_space<semaphore_mem>>) {add = true}
        %dma_wait3A_32 = arith.constant 0 : i32
        %dma_wait3A_33 = tpu.memref_slice %arg8[%scan3A_15, %dma_wait3A_32] : memref<79x128xi32, #tpu.memory_space<vmem>> -> memref<1x128xi32, #tpu.memory_space<vmem>>
        %dma_wait3A_34 = tpu.memref_squeeze %dma_wait3A_33 : memref<1x128xi32, #tpu.memory_space<vmem>> -> memref<128xi32, #tpu.memory_space<vmem>>
        %dma_wait3A_35 = arith.constant 0 : i32
        %dma_wait3A_36 = arith.constant 0 : i32
        %dma_wait3A_37 = tpu.memref_slice %arg10[%dma_wait3A_35, %dma_wait3A_36] : memref<10112x128xf32, #tpu.memory_space<vmem_shared>> -> memref<10112x128xf32, #tpu.memory_space<vmem_shared>>
        tpu.wait_indirect_dma semaphore(%run_scoped3A : memref<!tpu.dma_semaphore, #tpu.memory_space<semaphore_mem>>) src(%arg9 : memref<128x128xf32, #tpu.memory_space<vmem>>) dst(%dma_wait3A_37 : memref<10112x128xf32, #tpu.memory_space<vmem_shared>>)
        tpu.yield
      }) : () -> ()
    }
    %scan3A_7 = arith.constant 79 : i32
    %barrier3A_8 = arith.constant 0 : index
    tpu.barrier barrier_id(%barrier3A_8)
    %lt3A = arith.constant 15 : i32
    %lt3A_9 = arith.cmpi slt, %arg1, %lt3A : i32
    %convert_element_type3A = arith.extui %lt3A_9 : i1 to i32
    %cond3A = arith.constant 0 : i32
    %cond3A_10 = arith.cmpi ne, %convert_element_type3A, %cond3A : i32
    scf.if %cond3A_10 {
      %mul3A_15 = arith.constant 632 : i32
      %mul3A_16 = arith.muli %arg1, %mul3A_15 : i32
      %mul3A_17 = arith.constant 632 : i32
      %mul3A_18 = arith.muli %arg1, %mul3A_17 : i32
      "tpu.region"() ({
        %run_scoped3A = tpu.sem_alloc : memref<!tpu.dma_semaphore, #tpu.memory_space<semaphore_mem>>
        %dma_start3A = arith.constant 0 : i32
        %dma_start3A_19 = tpu.memref_slice %arg6[%arg0, %mul3A_18, %dma_start3A] : memref<2x10000x128xf32, #tpu.memory_space<hbm>> -> memref<1x632x128xf32, #tpu.memory_space<hbm>>
        %dma_start3A_20 = tpu.memref_squeeze %dma_start3A_19 : memref<1x632x128xf32, #tpu.memory_space<hbm>> -> memref<632x128xf32, #tpu.memory_space<hbm>>
        %dma_start3A_21 = arith.constant 0 : i32
        %dma_start3A_22 = tpu.memref_slice %arg10[%mul3A_16, %dma_start3A_21] : memref<10112x128xf32, #tpu.memory_space<vmem_shared>> -> memref<632x128xf32, #tpu.memory_space<vmem_shared>>
        tpu.enqueue_dma source(%dma_start3A_22 : memref<632x128xf32, #tpu.memory_space<vmem_shared>>) target(%dma_start3A_20 : memref<632x128xf32, #tpu.memory_space<hbm>>) target_semaphore(%run_scoped3A : memref<!tpu.dma_semaphore, #tpu.memory_space<semaphore_mem>>)
        %dma_wait3A = arith.constant 0 : i32
        %dma_wait3A_23 = tpu.memref_slice %arg6[%arg0, %mul3A_18, %dma_wait3A] : memref<2x10000x128xf32, #tpu.memory_space<hbm>> -> memref<1x632x128xf32, #tpu.memory_space<hbm>>
        %dma_wait3A_24 = tpu.memref_squeeze %dma_wait3A_23 : memref<1x632x128xf32, #tpu.memory_space<hbm>> -> memref<632x128xf32, #tpu.memory_space<hbm>>
        %dma_wait3A_25 = arith.constant 0 : i32
        %dma_wait3A_26 = tpu.memref_slice %arg10[%mul3A_16, %dma_wait3A_25] : memref<10112x128xf32, #tpu.memory_space<vmem_shared>> -> memref<632x128xf32, #tpu.memory_space<vmem_shared>>
        tpu.wait_dma2 semaphore(%run_scoped3A : memref<!tpu.dma_semaphore, #tpu.memory_space<semaphore_mem>>) src(%dma_wait3A_26 : memref<632x128xf32, #tpu.memory_space<vmem_shared>>) dst(%dma_wait3A_24 : memref<632x128xf32, #tpu.memory_space<hbm>>)
        tpu.yield
      }) : () -> ()
    } else {
    }
    %eq3A = arith.constant 15 : i32
    %eq3A_11 = arith.cmpi eq, %arg1, %eq3A : i32
    %convert_element_type3A_12 = arith.extui %eq3A_11 : i1 to i32
    %cond3A_13 = arith.constant 0 : i32
    %cond3A_14 = arith.cmpi ne, %convert_element_type3A_12, %cond3A_13 : i32
    scf.if %cond3A_14 {
      "tpu.region"() ({
        %run_scoped3A = tpu.sem_alloc : memref<!tpu.dma_semaphore, #tpu.memory_space<semaphore_mem>>
        %dma_start3A = arith.constant 9480 : i32
        %dma_start3A_15 = arith.constant 0 : i32
        %dma_start3A_16 = tpu.memref_slice %arg6[%arg0, %dma_start3A, %dma_start3A_15] : memref<2x10000x128xf32, #tpu.memory_space<hbm>> -> memref<1x520x128xf32, #tpu.memory_space<hbm>>
        %dma_start3A_17 = tpu.memref_squeeze %dma_start3A_16 : memref<1x520x128xf32, #tpu.memory_space<hbm>> -> memref<520x128xf32, #tpu.memory_space<hbm>>
        %dma_start3A_18 = arith.constant 9480 : i32
        %dma_start3A_19 = arith.constant 0 : i32
        %dma_start3A_20 = tpu.memref_slice %arg10[%dma_start3A_18, %dma_start3A_19] : memref<10112x128xf32, #tpu.memory_space<vmem_shared>> -> memref<520x128xf32, #tpu.memory_space<vmem_shared>>
        tpu.enqueue_dma source(%dma_start3A_20 : memref<520x128xf32, #tpu.memory_space<vmem_shared>>) target(%dma_start3A_17 : memref<520x128xf32, #tpu.memory_space<hbm>>) target_semaphore(%run_scoped3A : memref<!tpu.dma_semaphore, #tpu.memory_space<semaphore_mem>>)
        %dma_wait3A = arith.constant 9480 : i32
        %dma_wait3A_21 = arith.constant 0 : i32
        %dma_wait3A_22 = tpu.memref_slice %arg6[%arg0, %dma_wait3A, %dma_wait3A_21] : memref<2x10000x128xf32, #tpu.memory_space<hbm>> -> memref<1x520x128xf32, #tpu.memory_space<hbm>>
        %dma_wait3A_23 = tpu.memref_squeeze %dma_wait3A_22 : memref<1x520x128xf32, #tpu.memory_space<hbm>> -> memref<520x128xf32, #tpu.memory_space<hbm>>
        %dma_wait3A_24 = arith.constant 9480 : i32
        %dma_wait3A_25 = arith.constant 0 : i32
        %dma_wait3A_26 = tpu.memref_slice %arg10[%dma_wait3A_24, %dma_wait3A_25] : memref<10112x128xf32, #tpu.memory_space<vmem_shared>> -> memref<520x128xf32, #tpu.memory_space<vmem_shared>>
        tpu.wait_dma2 semaphore(%run_scoped3A : memref<!tpu.dma_semaphore, #tpu.memory_space<semaphore_mem>>) src(%dma_wait3A_26 : memref<520x128xf32, #tpu.memory_space<vmem_shared>>) dst(%dma_wait3A_23 : memref<520x128xf32, #tpu.memory_space<hbm>>)
        tpu.yield
      }) : () -> ()
    } else {
    }
    return
  }
}

#map = affine_map<(d0, d1) -> (0, 0)>
#map1 = affine_map<(d0, d1) -> (0, 0, 0)>
module attributes {stable_mosaic.version = 14 : i64} {
  func.func @spmm(%arg0: i32, %arg1: i32, %arg2: memref<10000x128xf32, #tpu.memory_space<hbm>>, %arg3: memref<32x79x128xi32, #tpu.memory_space<hbm>>, %arg4: memref<32x79x128xi32, #tpu.memory_space<hbm>>, %arg5: memref<632x128xf32, #tpu.memory_space<hbm>>, %arg6: memref<2x10000x128xf32, #tpu.memory_space<hbm>>, %arg7: memref<79x128xi32, #tpu.memory_space<vmem>>, %arg8: memref<79x128xi32, #tpu.memory_space<vmem>>, %arg9: memref<128x128xf32, #tpu.memory_space<vmem>>, %arg10: memref<10112x128xf32, #tpu.memory_space<vmem_shared>>, %arg11: memref<!tpu.dma_semaphore, #tpu.memory_space<semaphore_mem>>) attributes {dimension_semantics = [#tpu.dimension_semantics<core_parallel>, #tpu.dimension_semantics<subcore_parallel>], iteration_bounds = array<i64: 2, 16>, scalar_prefetch = 0 : i64, scratch_operands = 5 : i64, tpu.core_type = #tpu.core_type<sc_vector_subcore>, window_params = [{transform_indices = #map}, {transform_indices = #map1}, {transform_indices = #map1}, {transform_indices = #map}, {transform_indices = #map1}]} {
    %mul3A = arith.constant 16 : i32
    %mul3A_0 = arith.muli %arg0, %mul3A : i32
    %add3A = arith.addi %mul3A_0, %arg1 : i32
    %mul3A_1 = arith.constant 632 : i32
    %mul3A_2 = arith.muli %arg1, %mul3A_1 : i32
    "tpu.region"() ({
      %run_scoped3A = tpu.sem_alloc : memref<!tpu.dma_semaphore, #tpu.memory_space<semaphore_mem>>
      %dma_start3A = arith.constant 0 : i32
      %dma_start3A_15 = tpu.memref_slice %arg10[%mul3A_2, %dma_start3A] : memref<10112x128xf32, #tpu.memory_space<vmem_shared>> -> memref<632x128xf32, #tpu.memory_space<vmem_shared>>
      tpu.enqueue_dma source(%arg5 : memref<632x128xf32, #tpu.memory_space<hbm>>) target(%dma_start3A_15 : memref<632x128xf32, #tpu.memory_space<vmem_shared>>) target_semaphore(%run_scoped3A : memref<!tpu.dma_semaphore, #tpu.memory_space<semaphore_mem>>)
      %dma_wait3A = arith.constant 0 : i32
      %dma_wait3A_16 = tpu.memref_slice %arg10[%mul3A_2, %dma_wait3A] : memref<10112x128xf32, #tpu.memory_space<vmem_shared>> -> memref<632x128xf32, #tpu.memory_space<vmem_shared>>
      tpu.wait_dma2 semaphore(%run_scoped3A : memref<!tpu.dma_semaphore, #tpu.memory_space<semaphore_mem>>) src(%arg5 : memref<632x128xf32, #tpu.memory_space<hbm>>) dst(%dma_wait3A_16 : memref<632x128xf32, #tpu.memory_space<vmem_shared>>)
      tpu.yield
    }) : () -> ()
    "tpu.region"() ({
      %run_scoped3A = tpu.sem_alloc : memref<!tpu.dma_semaphore, #tpu.memory_space<semaphore_mem>>
      %dma_start3A = arith.constant 0 : i32
      %dma_start3A_15 = arith.constant 0 : i32
      %dma_start3A_16 = tpu.memref_slice %arg3[%add3A, %dma_start3A, %dma_start3A_15] : memref<32x79x128xi32, #tpu.memory_space<hbm>> -> memref<1x79x128xi32, #tpu.memory_space<hbm>>
      %dma_start3A_17 = tpu.memref_squeeze %dma_start3A_16 : memref<1x79x128xi32, #tpu.memory_space<hbm>> -> memref<79x128xi32, #tpu.memory_space<hbm>>
      %dma_start3A_18 = arith.constant 0 : i32
      %dma_start3A_19 = arith.constant 0 : i32
      %dma_start3A_20 = tpu.memref_slice %arg3[%add3A, %dma_start3A_18, %dma_start3A_19] : memref<32x79x128xi32, #tpu.memory_space<hbm>> -> memref<1x79x128xi32, #tpu.memory_space<hbm>>
      %dma_start3A_21 = tpu.memref_squeeze %dma_start3A_20 : memref<1x79x128xi32, #tpu.memory_space<hbm>> -> memref<79x128xi32, #tpu.memory_space<hbm>>
      tpu.enqueue_dma source(%dma_start3A_21 : memref<79x128xi32, #tpu.memory_space<hbm>>) target(%arg7 : memref<79x128xi32, #tpu.memory_space<vmem>>) target_semaphore(%run_scoped3A : memref<!tpu.dma_semaphore, #tpu.memory_space<semaphore_mem>>)
      %dma_wait3A = arith.constant 0 : i32
      %dma_wait3A_22 = arith.constant 0 : i32
      %dma_wait3A_23 = tpu.memref_slice %arg3[%add3A, %dma_wait3A, %dma_wait3A_22] : memref<32x79x128xi32, #tpu.memory_space<hbm>> -> memref<1x79x128xi32, #tpu.memory_space<hbm>>
      %dma_wait3A_24 = tpu.memref_squeeze %dma_wait3A_23 : memref<1x79x128xi32, #tpu.memory_space<hbm>> -> memref<79x128xi32, #tpu.memory_space<hbm>>
      %dma_wait3A_25 = arith.constant 0 : i32
      %dma_wait3A_26 = arith.constant 0 : i32
      %dma_wait3A_27 = tpu.memref_slice %arg3[%add3A, %dma_wait3A_25, %dma_wait3A_26] : memref<32x79x128xi32, #tpu.memory_space<hbm>> -> memref<1x79x128xi32, #tpu.memory_space<hbm>>
      %dma_wait3A_28 = tpu.memref_squeeze %dma_wait3A_27 : memref<1x79x128xi32, #tpu.memory_space<hbm>> -> memref<79x128xi32, #tpu.memory_space<hbm>>
      tpu.wait_dma2 semaphore(%run_scoped3A : memref<!tpu.dma_semaphore, #tpu.memory_space<semaphore_mem>>) src(%dma_wait3A_28 : memref<79x128xi32, #tpu.memory_space<hbm>>) dst(%arg7 : memref<79x128xi32, #tpu.memory_space<vmem>>)
      tpu.yield
    }) : () -> ()
    "tpu.region"() ({
      %run_scoped3A = tpu.sem_alloc : memref<!tpu.dma_semaphore, #tpu.memory_space<semaphore_mem>>
      %dma_start3A = arith.constant 0 : i32
      %dma_start3A_15 = arith.constant 0 : i32
      %dma_start3A_16 = tpu.memref_slice %arg4[%add3A, %dma_start3A, %dma_start3A_15] : memref<32x79x128xi32, #tpu.memory_space<hbm>> -> memref<1x79x128xi32, #tpu.memory_space<hbm>>
      %dma_start3A_17 = tpu.memref_squeeze %dma_start3A_16 : memref<1x79x128xi32, #tpu.memory_space<hbm>> -> memref<79x128xi32, #tpu.memory_space<hbm>>
      %dma_start3A_18 = arith.constant 0 : i32
      %dma_start3A_19 = arith.constant 0 : i32
      %dma_start3A_20 = tpu.memref_slice %arg4[%add3A, %dma_start3A_18, %dma_start3A_19] : memref<32x79x128xi32, #tpu.memory_space<hbm>> -> memref<1x79x128xi32, #tpu.memory_space<hbm>>
      %dma_start3A_21 = tpu.memref_squeeze %dma_start3A_20 : memref<1x79x128xi32, #tpu.memory_space<hbm>> -> memref<79x128xi32, #tpu.memory_space<hbm>>
      tpu.enqueue_dma source(%dma_start3A_21 : memref<79x128xi32, #tpu.memory_space<hbm>>) target(%arg8 : memref<79x128xi32, #tpu.memory_space<vmem>>) target_semaphore(%run_scoped3A : memref<!tpu.dma_semaphore, #tpu.memory_space<semaphore_mem>>)
      %dma_wait3A = arith.constant 0 : i32
      %dma_wait3A_22 = arith.constant 0 : i32
      %dma_wait3A_23 = tpu.memref_slice %arg4[%add3A, %dma_wait3A, %dma_wait3A_22] : memref<32x79x128xi32, #tpu.memory_space<hbm>> -> memref<1x79x128xi32, #tpu.memory_space<hbm>>
      %dma_wait3A_24 = tpu.memref_squeeze %dma_wait3A_23 : memref<1x79x128xi32, #tpu.memory_space<hbm>> -> memref<79x128xi32, #tpu.memory_space<hbm>>
      %dma_wait3A_25 = arith.constant 0 : i32
      %dma_wait3A_26 = arith.constant 0 : i32
      %dma_wait3A_27 = tpu.memref_slice %arg4[%add3A, %dma_wait3A_25, %dma_wait3A_26] : memref<32x79x128xi32, #tpu.memory_space<hbm>> -> memref<1x79x128xi32, #tpu.memory_space<hbm>>
      %dma_wait3A_28 = tpu.memref_squeeze %dma_wait3A_27 : memref<1x79x128xi32, #tpu.memory_space<hbm>> -> memref<79x128xi32, #tpu.memory_space<hbm>>
      tpu.wait_dma2 semaphore(%run_scoped3A : memref<!tpu.dma_semaphore, #tpu.memory_space<semaphore_mem>>) src(%dma_wait3A_28 : memref<79x128xi32, #tpu.memory_space<hbm>>) dst(%arg8 : memref<79x128xi32, #tpu.memory_space<vmem>>)
      tpu.yield
    }) : () -> ()
    %barrier3A = arith.constant 0 : index
    tpu.barrier barrier_id(%barrier3A)
    %scan3A = arith.constant 0 : i32
    %scan3A_3 = arith.constant 0 : i32
    %scan3A_4 = arith.constant 79 : i32
    %scan3A_5 = arith.addi %scan3A_3, %scan3A_4 : i32
    %scan3A_6 = arith.constant 1 : i32
    scf.for %scan3A_15 = %scan3A_3 to %scan3A_5 step %scan3A_6  : i32 {
      %dma_start3A = arith.constant 0 : i32
      %dma_start3A_16 = tpu.memref_slice %arg7[%scan3A_15, %dma_start3A] : memref<79x128xi32, #tpu.memory_space<vmem>> -> memref<1x128xi32, #tpu.memory_space<vmem>>
      %dma_start3A_17 = tpu.memref_squeeze %dma_start3A_16 : memref<1x128xi32, #tpu.memory_space<vmem>> -> memref<128xi32, #tpu.memory_space<vmem>>
      %dma_start3A_18 = arith.constant 0 : i32
      %dma_start3A_19 = arith.constant 0 : i32
      %dma_start3A_20 = tpu.memref_slice %arg2[%dma_start3A_18, %dma_start3A_19] : memref<10000x128xf32, #tpu.memory_space<hbm>> -> memref<10000x128xf32, #tpu.memory_space<hbm>>
      tpu.enqueue_indirect_dma source(%dma_start3A_20 : memref<10000x128xf32, #tpu.memory_space<hbm>>) target(%arg9 : memref<128x128xf32, #tpu.memory_space<vmem>>) offsets(%dma_start3A_17 : memref<128xi32, #tpu.memory_space<vmem>>) semaphore(%arg11 : memref<!tpu.dma_semaphore, #tpu.memory_space<semaphore_mem>>)
      %dma_wait3A = arith.constant 0 : i32
      %dma_wait3A_21 = tpu.memref_slice %arg7[%scan3A_15, %dma_wait3A] : memref<79x128xi32, #tpu.memory_space<vmem>> -> memref<1x128xi32, #tpu.memory_space<vmem>>
      %dma_wait3A_22 = tpu.memref_squeeze %dma_wait3A_21 : memref<1x128xi32, #tpu.memory_space<vmem>> -> memref<128xi32, #tpu.memory_space<vmem>>
      %dma_wait3A_23 = arith.constant 0 : i32
      %dma_wait3A_24 = arith.constant 0 : i32
      %dma_wait3A_25 = tpu.memref_slice %arg2[%dma_wait3A_23, %dma_wait3A_24] : memref<10000x128xf32, #tpu.memory_space<hbm>> -> memref<10000x128xf32, #tpu.memory_space<hbm>>
      tpu.wait_indirect_dma semaphore(%arg11 : memref<!tpu.dma_semaphore, #tpu.memory_space<semaphore_mem>>) src(%dma_wait3A_25 : memref<10000x128xf32, #tpu.memory_space<hbm>>) dst(%arg9 : memref<128x128xf32, #tpu.memory_space<vmem>>)
      "tpu.region"() ({
        %run_scoped3A = tpu.sem_alloc : memref<!tpu.dma_semaphore, #tpu.memory_space<semaphore_mem>>
        %dma_start3A_26 = arith.constant 0 : i32
        %dma_start3A_27 = tpu.memref_slice %arg8[%scan3A_15, %dma_start3A_26] : memref<79x128xi32, #tpu.memory_space<vmem>> -> memref<1x128xi32, #tpu.memory_space<vmem>>
        %dma_start3A_28 = tpu.memref_squeeze %dma_start3A_27 : memref<1x128xi32, #tpu.memory_space<vmem>> -> memref<128xi32, #tpu.memory_space<vmem>>
        %dma_start3A_29 = arith.constant 0 : i32
        %dma_start3A_30 = arith.constant 0 : i32
        %dma_start3A_31 = tpu.memref_slice %arg10[%dma_start3A_29, %dma_start3A_30] : memref<10112x128xf32, #tpu.memory_space<vmem_shared>> -> memref<10112x128xf32, #tpu.memory_space<vmem_shared>>
        tpu.enqueue_indirect_dma source(%arg9 : memref<128x128xf32, #tpu.memory_space<vmem>>) target(%dma_start3A_31 : memref<10112x128xf32, #tpu.memory_space<vmem_shared>>) offsets(%dma_start3A_28 : memref<128xi32, #tpu.memory_space<vmem>>) semaphore(%run_scoped3A : memref<!tpu.dma_semaphore, #tpu.memory_space<semaphore_mem>>) {add = true}
        %dma_wait3A_32 = arith.constant 0 : i32
        %dma_wait3A_33 = tpu.memref_slice %arg8[%scan3A_15, %dma_wait3A_32] : memref<79x128xi32, #tpu.memory_space<vmem>> -> memref<1x128xi32, #tpu.memory_space<vmem>>
        %dma_wait3A_34 = tpu.memref_squeeze %dma_wait3A_33 : memref<1x128xi32, #tpu.memory_space<vmem>> -> memref<128xi32, #tpu.memory_space<vmem>>
        %dma_wait3A_35 = arith.constant 0 : i32
        %dma_wait3A_36 = arith.constant 0 : i32
        %dma_wait3A_37 = tpu.memref_slice %arg10[%dma_wait3A_35, %dma_wait3A_36] : memref<10112x128xf32, #tpu.memory_space<vmem_shared>> -> memref<10112x128xf32, #tpu.memory_space<vmem_shared>>
        tpu.wait_indirect_dma semaphore(%run_scoped3A : memref<!tpu.dma_semaphore, #tpu.memory_space<semaphore_mem>>) src(%arg9 : memref<128x128xf32, #tpu.memory_space<vmem>>) dst(%dma_wait3A_37 : memref<10112x128xf32, #tpu.memory_space<vmem_shared>>)
        tpu.yield
      }) : () -> ()
    }
    %scan3A_7 = arith.constant 79 : i32
    %barrier3A_8 = arith.constant 0 : index
    tpu.barrier barrier_id(%barrier3A_8)
    %lt3A = arith.constant 15 : i32
    %lt3A_9 = arith.cmpi slt, %arg1, %lt3A : i32
    %convert_element_type3A = arith.extui %lt3A_9 : i1 to i32
    %cond3A = arith.constant 0 : i32
    %cond3A_10 = arith.cmpi ne, %convert_element_type3A, %cond3A : i32
    scf.if %cond3A_10 {
      %mul3A_15 = arith.constant 632 : i32
      %mul3A_16 = arith.muli %arg1, %mul3A_15 : i32
      %mul3A_17 = arith.constant 632 : i32
      %mul3A_18 = arith.muli %arg1, %mul3A_17 : i32
      "tpu.region"() ({
        %run_scoped3A = tpu.sem_alloc : memref<!tpu.dma_semaphore, #tpu.memory_space<semaphore_mem>>
        %dma_start3A = arith.constant 0 : i32
        %dma_start3A_19 = tpu.memref_slice %arg6[%arg0, %mul3A_18, %dma_start3A] : memref<2x10000x128xf32, #tpu.memory_space<hbm>> -> memref<1x632x128xf32, #tpu.memory_space<hbm>>
        %dma_start3A_20 = tpu.memref_squeeze %dma_start3A_19 : memref<1x632x128xf32, #tpu.memory_space<hbm>> -> memref<632x128xf32, #tpu.memory_space<hbm>>
        %dma_start3A_21 = arith.constant 0 : i32
        %dma_start3A_22 = tpu.memref_slice %arg10[%mul3A_16, %dma_start3A_21] : memref<10112x128xf32, #tpu.memory_space<vmem_shared>> -> memref<632x128xf32, #tpu.memory_space<vmem_shared>>
        tpu.enqueue_dma source(%dma_start3A_22 : memref<632x128xf32, #tpu.memory_space<vmem_shared>>) target(%dma_start3A_20 : memref<632x128xf32, #tpu.memory_space<hbm>>) target_semaphore(%run_scoped3A : memref<!tpu.dma_semaphore, #tpu.memory_space<semaphore_mem>>)
        %dma_wait3A = arith.constant 0 : i32
        %dma_wait3A_23 = tpu.memref_slice %arg6[%arg0, %mul3A_18, %dma_wait3A] : memref<2x10000x128xf32, #tpu.memory_space<hbm>> -> memref<1x632x128xf32, #tpu.memory_space<hbm>>
        %dma_wait3A_24 = tpu.memref_squeeze %dma_wait3A_23 : memref<1x632x128xf32, #tpu.memory_space<hbm>> -> memref<632x128xf32, #tpu.memory_space<hbm>>
        %dma_wait3A_25 = arith.constant 0 : i32
        %dma_wait3A_26 = tpu.memref_slice %arg10[%mul3A_16, %dma_wait3A_25] : memref<10112x128xf32, #tpu.memory_space<vmem_shared>> -> memref<632x128xf32, #tpu.memory_space<vmem_shared>>
        tpu.wait_dma2 semaphore(%run_scoped3A : memref<!tpu.dma_semaphore, #tpu.memory_space<semaphore_mem>>) src(%dma_wait3A_26 : memref<632x128xf32, #tpu.memory_space<vmem_shared>>) dst(%dma_wait3A_24 : memref<632x128xf32, #tpu.memory_space<hbm>>)
        tpu.yield
      }) : () -> ()
    } else {
    }
    %eq3A = arith.constant 15 : i32
    %eq3A_11 = arith.cmpi eq, %arg1, %eq3A : i32
    %convert_element_type3A_12 = arith.extui %eq3A_11 : i1 to i32
    %cond3A_13 = arith.constant 0 : i32
    %cond3A_14 = arith.cmpi ne, %convert_element_type3A_12, %cond3A_13 : i32
    scf.if %cond3A_14 {
      "tpu.region"() ({
        %run_scoped3A = tpu.sem_alloc : memref<!tpu.dma_semaphore, #tpu.memory_space<semaphore_mem>>
        %dma_start3A = arith.constant 9480 : i32
        %dma_start3A_15 = arith.constant 0 : i32
        %dma_start3A_16 = tpu.memref_slice %arg6[%arg0, %dma_start3A, %dma_start3A_15] : memref<2x10000x128xf32, #tpu.memory_space<hbm>> -> memref<1x520x128xf32, #tpu.memory_space<hbm>>
        %dma_start3A_17 = tpu.memref_squeeze %dma_start3A_16 : memref<1x520x128xf32, #tpu.memory_space<hbm>> -> memref<520x128xf32, #tpu.memory_space<hbm>>
        %dma_start3A_18 = arith.constant 9480 : i32
        %dma_start3A_19 = arith.constant 0 : i32
        %dma_start3A_20 = tpu.memref_slice %arg10[%dma_start3A_18, %dma_start3A_19] : memref<10112x128xf32, #tpu.memory_space<vmem_shared>> -> memref<520x128xf32, #tpu.memory_space<vmem_shared>>
        tpu.enqueue_dma source(%dma_start3A_20 : memref<520x128xf32, #tpu.memory_space<vmem_shared>>) target(%dma_start3A_17 : memref<520x128xf32, #tpu.memory_space<hbm>>) target_semaphore(%run_scoped3A : memref<!tpu.dma_semaphore, #tpu.memory_space<semaphore_mem>>)
        %dma_wait3A = arith.constant 9480 : i32
        %dma_wait3A_21 = arith.constant 0 : i32
        %dma_wait3A_22 = tpu.memref_slice %arg6[%arg0, %dma_wait3A, %dma_wait3A_21] : memref<2x10000x128xf32, #tpu.memory_space<hbm>> -> memref<1x520x128xf32, #tpu.memory_space<hbm>>
        %dma_wait3A_23 = tpu.memref_squeeze %dma_wait3A_22 : memref<1x520x128xf32, #tpu.memory_space<hbm>> -> memref<520x128xf32, #tpu.memory_space<hbm>>
        %dma_wait3A_24 = arith.constant 9480 : i32
        %dma_wait3A_25 = arith.constant 0 : i32
        %dma_wait3A_26 = tpu.memref_slice %arg10[%dma_wait3A_24, %dma_wait3A_25] : memref<10112x128xf32, #tpu.memory_space<vmem_shared>> -> memref<520x128xf32, #tpu.memory_space<vmem_shared>>
        tpu.wait_dma2 semaphore(%run_scoped3A : memref<!tpu.dma_semaphore, #tpu.memory_space<semaphore_mem>>) src(%dma_wait3A_26 : memref<520x128xf32, #tpu.memory_space<vmem_shared>>) dst(%dma_wait3A_23 : memref<520x128xf32, #tpu.memory_space<hbm>>)
        tpu.yield
      }) : () -> ()
    } else {
    }
    return
  }
}

module attributes {stable_mosaic.version = 14 : i64} {
  func.func @_tc1_body(%arg0: i32, %arg1: memref<1000x128xf32, #tpu.memory_space<vmem>>, %arg2: memref<1000x128xf32, #tpu.memory_space<vmem>>, %arg3: memref<1000x128xf32, #tpu.memory_space<vmem>>, %arg4: memref<128x128xf32, #tpu.memory_space<vmem>>, %arg5: memref<128x128xf32, #tpu.memory_space<vmem>>, %arg6: memref<1x128xf32, #tpu.memory_space<vmem>>, %arg7: memref<128x128xf32, #tpu.memory_space<vmem>>, %arg8: memref<1000x128xf32, #tpu.memory_space<vmem>>, %arg9: memref<1000x128xf32, #tpu.memory_space<vmem>>, %arg10: memref<1000x1xf32, #tpu.memory_space<vmem>>) attributes {dimension_semantics = [#tpu.dimension_semantics<arbitrary>], iteration_bounds = array<i64: 10>, scalar_prefetch = 0 : i64, scratch_operands = 0 : i64, tpu.core_type = #tpu.core_type<tc>, window_params = [{transform_indices = @transform_0, window_bounds = array<i64: 1000, 128>}, {transform_indices = @transform_1, window_bounds = array<i64: 1000, 128>}, {transform_indices = @transform_2, window_bounds = array<i64: 1000, 128>}, {pipeline_mode = #tpu.pipeline_mode<synchronous>, transform_indices = @transform_3, window_bounds = array<i64: 128, 128>}, {pipeline_mode = #tpu.pipeline_mode<synchronous>, transform_indices = @transform_4, window_bounds = array<i64: 128, 128>}, {pipeline_mode = #tpu.pipeline_mode<synchronous>, transform_indices = @transform_5, window_bounds = array<i64: 1, 128>}, {pipeline_mode = #tpu.pipeline_mode<synchronous>, transform_indices = @transform_6, window_bounds = array<i64: 128, 128>}, {transform_indices = @transform_7, window_bounds = array<i64: 1000, 128>}, {transform_indices = @transform_8, window_bounds = array<i64: 1000, 128>}, {transform_indices = @transform_9, window_bounds = array<i64: 1000, 1>}]} {
    %get3A = arith.constant 0 : index
    %get3A_0 = arith.constant 0 : index
    %get3A_1 = vector.load %arg1[%get3A, %get3A_0] : memref<1000x128xf32, #tpu.memory_space<vmem>>, vector<1000x128xf32>
    %get3A_2 = arith.constant 0 : index
    %get3A_3 = arith.constant 0 : index
    %get3A_4 = vector.load %arg2[%get3A_2, %get3A_3] : memref<1000x128xf32, #tpu.memory_space<vmem>>, vector<1000x128xf32>
    %add3A = arith.addf %get3A_1, %get3A_4 : vector<1000x128xf32>
    %slice3A = vector.extract_strided_slice %add3A {offsets = [0, 7], sizes = [1000, 1], strides = [1, 1]} : vector<1000x128xf32> to vector<1000x1xf32>
    %max3A = arith.constant 1.000000e+00 : f32
    %max3A_5 = vector.broadcast %max3A : f32 to vector<1000x1xf32>
    %max3A_6 = arith.maximumf %slice3A, %max3A_5 : vector<1000x1xf32>
    %div3A = arith.constant 1.000000e+00 : f32
    %div3A_7 = vector.broadcast %div3A : f32 to vector<1000x1xf32>
    %div3A_8 = arith.divf %div3A_7, %max3A_6 : vector<1000x1xf32>
    %mul3A = vector.broadcast %div3A_8 : vector<1000x1xf32> to vector<1000x128xf32>
    %mul3A_9 = arith.mulf %add3A, %mul3A : vector<1000x128xf32>
    %get3A_10 = arith.constant 0 : index
    %get3A_11 = arith.constant 0 : index
    %get3A_12 = vector.load %arg4[%get3A_10, %get3A_11] : memref<128x128xf32, #tpu.memory_space<vmem>>, vector<128x128xf32>
    %dot_general3A = arith.constant dense<0.000000e+00> : vector<1000x128xf32>
    %dot_general3A_13 = tpu.matmul %mul3A_9, %get3A_12, %dot_general3A {dimension_numbers = #tpu.dot_dimension_numbers<[1], [0], [0], [1], [0, 0, 1, 1], [], []>, transpose_lhs_hint = false} : vector<1000x128xf32>, vector<128x128xf32>, vector<1000x128xf32> -> vector<1000x128xf32>
    %get3A_14 = arith.constant 0 : index
    %get3A_15 = arith.constant 0 : index
    %get3A_16 = vector.load %arg6[%get3A_14, %get3A_15] : memref<1x128xf32, #tpu.memory_space<vmem>>, vector<1x128xf32>
    %add3A_17 = vector.broadcast %get3A_16 : vector<1x128xf32> to vector<1000x128xf32>
    %add3A_18 = arith.addf %dot_general3A_13, %add3A_17 : vector<1000x128xf32>
    %get3A_19 = arith.constant 0 : index
    %get3A_20 = arith.constant 0 : index
    %get3A_21 = vector.load %arg3[%get3A_19, %get3A_20] : memref<1000x128xf32, #tpu.memory_space<vmem>>, vector<1000x128xf32>
    %get3A_22 = arith.constant 0 : index
    %get3A_23 = arith.constant 0 : index
    %get3A_24 = vector.load %arg5[%get3A_22, %get3A_23] : memref<128x128xf32, #tpu.memory_space<vmem>>, vector<128x128xf32>
    %dot_general3A_25 = arith.constant dense<0.000000e+00> : vector<1000x128xf32>
    %dot_general3A_26 = tpu.matmul %get3A_21, %get3A_24, %dot_general3A_25 {dimension_numbers = #tpu.dot_dimension_numbers<[1], [0], [0], [1], [0, 0, 1, 1], [], []>, transpose_lhs_hint = false} : vector<1000x128xf32>, vector<128x128xf32>, vector<1000x128xf32> -> vector<1000x128xf32>
    %add3A_27 = arith.addf %add3A_18, %dot_general3A_26 : vector<1000x128xf32>
    %max3A_28 = arith.constant 0.000000e+00 : f32
    %max3A_29 = vector.broadcast %max3A_28 : f32 to vector<1000x128xf32>
    %max3A_30 = arith.maximumf %add3A_27, %max3A_29 : vector<1000x128xf32>
    %swap3A = arith.constant 0 : index
    %swap3A_31 = arith.constant 0 : index
    %swap3A_32 = vector.load %arg8[%swap3A, %swap3A_31] : memref<1000x128xf32, #tpu.memory_space<vmem>>, vector<1000x128xf32>
    tpu.vector_store %arg8[%swap3A, %swap3A_31], %max3A_30 {strides = array<i32>} : memref<1000x128xf32, #tpu.memory_space<vmem>>, vector<1000x128xf32>,
    %get3A_33 = arith.constant 0 : index
    %get3A_34 = arith.constant 0 : index
    %get3A_35 = vector.load %arg7[%get3A_33, %get3A_34] : memref<128x128xf32, #tpu.memory_space<vmem>>, vector<128x128xf32>
    %dot_general3A_36 = arith.constant dense<0.000000e+00> : vector<1000x128xf32>
    %dot_general3A_37 = tpu.matmul %max3A_30, %get3A_35, %dot_general3A_36 {dimension_numbers = #tpu.dot_dimension_numbers<[1], [0], [0], [1], [0, 0, 1, 1], [], []>, transpose_lhs_hint = false} : vector<1000x128xf32>, vector<128x128xf32>, vector<1000x128xf32> -> vector<1000x128xf32>
    %swap3A_38 = arith.constant 0 : index
    %swap3A_39 = arith.constant 0 : index
    %swap3A_40 = vector.load %arg9[%swap3A_38, %swap3A_39] : memref<1000x128xf32, #tpu.memory_space<vmem>>, vector<1000x128xf32>
    tpu.vector_store %arg9[%swap3A_38, %swap3A_39], %dot_general3A_37 {strides = array<i32>} : memref<1000x128xf32, #tpu.memory_space<vmem>>, vector<1000x128xf32>,
    %swap3A_41 = arith.constant 0 : index
    %swap3A_42 = arith.constant 0 : index
    %swap3A_43 = vector.load %arg10[%swap3A_41, %swap3A_42] : memref<1000x1xf32, #tpu.memory_space<vmem>>, vector<1000x1xf32>
    tpu.vector_store %arg10[%swap3A_41, %swap3A_42], %div3A_8 {strides = array<i32>} : memref<1000x1xf32, #tpu.memory_space<vmem>>, vector<1000x1xf32>,
    return
  }
  func.func @transform_0(%arg0: i32) -> (i32, i32) {
    %c0_i32 = arith.constant 0 : i32
    %c0_i32_0 = arith.constant 0 : i32
    return %arg0, %c0_i32 : i32, i32
  }
  func.func @transform_1(%arg0: i32) -> (i32, i32) {
    %c0_i32 = arith.constant 0 : i32
    %c0_i32_0 = arith.constant 0 : i32
    return %arg0, %c0_i32 : i32, i32
  }
  func.func @transform_2(%arg0: i32) -> (i32, i32) {
    %c0_i32 = arith.constant 0 : i32
    %c0_i32_0 = arith.constant 0 : i32
    return %arg0, %c0_i32 : i32, i32
  }
  func.func @transform_3(%arg0: i32) -> (i32, i32) {
    %c0_i32 = arith.constant 0 : i32
    %c0_i32_0 = arith.constant 0 : i32
    %c0_i32_1 = arith.constant 0 : i32
    return %c0_i32, %c0_i32_0 : i32, i32
  }
  func.func @transform_4(%arg0: i32) -> (i32, i32) {
    %c0_i32 = arith.constant 0 : i32
    %c0_i32_0 = arith.constant 0 : i32
    %c0_i32_1 = arith.constant 0 : i32
    return %c0_i32, %c0_i32_0 : i32, i32
  }
  func.func @transform_5(%arg0: i32) -> (i32, i32) {
    %c0_i32 = arith.constant 0 : i32
    %c0_i32_0 = arith.constant 0 : i32
    %c0_i32_1 = arith.constant 0 : i32
    return %c0_i32, %c0_i32_0 : i32, i32
  }
  func.func @transform_6(%arg0: i32) -> (i32, i32) {
    %c0_i32 = arith.constant 0 : i32
    %c0_i32_0 = arith.constant 0 : i32
    %c0_i32_1 = arith.constant 0 : i32
    return %c0_i32, %c0_i32_0 : i32, i32
  }
  func.func @transform_7(%arg0: i32) -> (i32, i32) {
    %c0_i32 = arith.constant 0 : i32
    %c0_i32_0 = arith.constant 0 : i32
    return %arg0, %c0_i32 : i32, i32
  }
  func.func @transform_8(%arg0: i32) -> (i32, i32) {
    %c0_i32 = arith.constant 0 : i32
    %c0_i32_0 = arith.constant 0 : i32
    return %arg0, %c0_i32 : i32, i32
  }
  func.func @transform_9(%arg0: i32) -> (i32, i32) {
    %c0_i32 = arith.constant 0 : i32
    %c0_i32_0 = arith.constant 0 : i32
    return %arg0, %c0_i32 : i32, i32
  }
}

module attributes {stable_mosaic.version = 14 : i64} {
  func.func @_tcmid_body(%arg0: i32, %arg1: memref<1000x128xf32, #tpu.memory_space<vmem>>, %arg2: memref<1000x128xf32, #tpu.memory_space<vmem>>, %arg3: memref<1000x1xf32, #tpu.memory_space<vmem>>, %arg4: memref<1000x128xf32, #tpu.memory_space<vmem>>, %arg5: memref<128x128xf32, #tpu.memory_space<vmem>>, %arg6: memref<1x128xf32, #tpu.memory_space<vmem>>, %arg7: memref<128x128xf32, #tpu.memory_space<vmem>>, %arg8: memref<1000x128xf32, #tpu.memory_space<vmem>>, %arg9: memref<1000x128xf32, #tpu.memory_space<vmem>>) attributes {dimension_semantics = [#tpu.dimension_semantics<arbitrary>], iteration_bounds = array<i64: 10>, scalar_prefetch = 0 : i64, scratch_operands = 0 : i64, tpu.core_type = #tpu.core_type<tc>, window_params = [{transform_indices = @transform_0, window_bounds = array<i64: 1000, 128>}, {transform_indices = @transform_1, window_bounds = array<i64: 1000, 128>}, {transform_indices = @transform_2, window_bounds = array<i64: 1000, 1>}, {transform_indices = @transform_3, window_bounds = array<i64: 1000, 128>}, {pipeline_mode = #tpu.pipeline_mode<synchronous>, transform_indices = @transform_4, window_bounds = array<i64: 128, 128>}, {pipeline_mode = #tpu.pipeline_mode<synchronous>, transform_indices = @transform_5, window_bounds = array<i64: 1, 128>}, {pipeline_mode = #tpu.pipeline_mode<synchronous>, transform_indices = @transform_6, window_bounds = array<i64: 128, 128>}, {transform_indices = @transform_7, window_bounds = array<i64: 1000, 128>}, {transform_indices = @transform_8, window_bounds = array<i64: 1000, 128>}]} {
    %get3A = arith.constant 0 : index
    %get3A_0 = arith.constant 0 : index
    %get3A_1 = vector.load %arg1[%get3A, %get3A_0] : memref<1000x128xf32, #tpu.memory_space<vmem>>, vector<1000x128xf32>
    %get3A_2 = arith.constant 0 : index
    %get3A_3 = arith.constant 0 : index
    %get3A_4 = vector.load %arg2[%get3A_2, %get3A_3] : memref<1000x128xf32, #tpu.memory_space<vmem>>, vector<1000x128xf32>
    %add3A = arith.addf %get3A_1, %get3A_4 : vector<1000x128xf32>
    %get3A_5 = arith.constant 0 : index
    %get3A_6 = arith.constant 0 : index
    %get3A_7 = vector.load %arg3[%get3A_5, %get3A_6] : memref<1000x1xf32, #tpu.memory_space<vmem>>, vector<1000x1xf32>
    %mul3A = vector.broadcast %get3A_7 : vector<1000x1xf32> to vector<1000x128xf32>
    %mul3A_8 = arith.mulf %add3A, %mul3A : vector<1000x128xf32>
    %get3A_9 = arith.constant 0 : index
    %get3A_10 = arith.constant 0 : index
    %get3A_11 = vector.load %arg6[%get3A_9, %get3A_10] : memref<1x128xf32, #tpu.memory_space<vmem>>, vector<1x128xf32>
    %add3A_12 = vector.broadcast %get3A_11 : vector<1x128xf32> to vector<1000x128xf32>
    %add3A_13 = arith.addf %mul3A_8, %add3A_12 : vector<1000x128xf32>
    %get3A_14 = arith.constant 0 : index
    %get3A_15 = arith.constant 0 : index
    %get3A_16 = vector.load %arg4[%get3A_14, %get3A_15] : memref<1000x128xf32, #tpu.memory_space<vmem>>, vector<1000x128xf32>
    %get3A_17 = arith.constant 0 : index
    %get3A_18 = arith.constant 0 : index
    %get3A_19 = vector.load %arg5[%get3A_17, %get3A_18] : memref<128x128xf32, #tpu.memory_space<vmem>>, vector<128x128xf32>
    %dot_general3A = arith.constant dense<0.000000e+00> : vector<1000x128xf32>
    %dot_general3A_20 = tpu.matmul %get3A_16, %get3A_19, %dot_general3A {dimension_numbers = #tpu.dot_dimension_numbers<[1], [0], [0], [1], [0, 0, 1, 1], [], []>, transpose_lhs_hint = false} : vector<1000x128xf32>, vector<128x128xf32>, vector<1000x128xf32> -> vector<1000x128xf32>
    %add3A_21 = arith.addf %add3A_13, %dot_general3A_20 : vector<1000x128xf32>
    %max3A = arith.constant 0.000000e+00 : f32
    %max3A_22 = vector.broadcast %max3A : f32 to vector<1000x128xf32>
    %max3A_23 = arith.maximumf %add3A_21, %max3A_22 : vector<1000x128xf32>
    %swap3A = arith.constant 0 : index
    %swap3A_24 = arith.constant 0 : index
    %swap3A_25 = vector.load %arg8[%swap3A, %swap3A_24] : memref<1000x128xf32, #tpu.memory_space<vmem>>, vector<1000x128xf32>
    tpu.vector_store %arg8[%swap3A, %swap3A_24], %max3A_23 {strides = array<i32>} : memref<1000x128xf32, #tpu.memory_space<vmem>>, vector<1000x128xf32>,
    %get3A_26 = arith.constant 0 : index
    %get3A_27 = arith.constant 0 : index
    %get3A_28 = vector.load %arg7[%get3A_26, %get3A_27] : memref<128x128xf32, #tpu.memory_space<vmem>>, vector<128x128xf32>
    %dot_general3A_29 = arith.constant dense<0.000000e+00> : vector<1000x128xf32>
    %dot_general3A_30 = tpu.matmul %max3A_23, %get3A_28, %dot_general3A_29 {dimension_numbers = #tpu.dot_dimension_numbers<[1], [0], [0], [1], [0, 0, 1, 1], [], []>, transpose_lhs_hint = false} : vector<1000x128xf32>, vector<128x128xf32>, vector<1000x128xf32> -> vector<1000x128xf32>
    %swap3A_31 = arith.constant 0 : index
    %swap3A_32 = arith.constant 0 : index
    %swap3A_33 = vector.load %arg9[%swap3A_31, %swap3A_32] : memref<1000x128xf32, #tpu.memory_space<vmem>>, vector<1000x128xf32>
    tpu.vector_store %arg9[%swap3A_31, %swap3A_32], %dot_general3A_30 {strides = array<i32>} : memref<1000x128xf32, #tpu.memory_space<vmem>>, vector<1000x128xf32>,
    return
  }
  func.func @transform_0(%arg0: i32) -> (i32, i32) {
    %c0_i32 = arith.constant 0 : i32
    %c0_i32_0 = arith.constant 0 : i32
    return %arg0, %c0_i32 : i32, i32
  }
  func.func @transform_1(%arg0: i32) -> (i32, i32) {
    %c0_i32 = arith.constant 0 : i32
    %c0_i32_0 = arith.constant 0 : i32
    return %arg0, %c0_i32 : i32, i32
  }
  func.func @transform_2(%arg0: i32) -> (i32, i32) {
    %c0_i32 = arith.constant 0 : i32
    %c0_i32_0 = arith.constant 0 : i32
    return %arg0, %c0_i32 : i32, i32
  }
  func.func @transform_3(%arg0: i32) -> (i32, i32) {
    %c0_i32 = arith.constant 0 : i32
    %c0_i32_0 = arith.constant 0 : i32
    return %arg0, %c0_i32 : i32, i32
  }
  func.func @transform_4(%arg0: i32) -> (i32, i32) {
    %c0_i32 = arith.constant 0 : i32
    %c0_i32_0 = arith.constant 0 : i32
    %c0_i32_1 = arith.constant 0 : i32
    return %c0_i32, %c0_i32_0 : i32, i32
  }
  func.func @transform_5(%arg0: i32) -> (i32, i32) {
    %c0_i32 = arith.constant 0 : i32
    %c0_i32_0 = arith.constant 0 : i32
    %c0_i32_1 = arith.constant 0 : i32
    return %c0_i32, %c0_i32_0 : i32, i32
  }
  func.func @transform_6(%arg0: i32) -> (i32, i32) {
    %c0_i32 = arith.constant 0 : i32
    %c0_i32_0 = arith.constant 0 : i32
    %c0_i32_1 = arith.constant 0 : i32
    return %c0_i32, %c0_i32_0 : i32, i32
  }
  func.func @transform_7(%arg0: i32) -> (i32, i32) {
    %c0_i32 = arith.constant 0 : i32
    %c0_i32_0 = arith.constant 0 : i32
    return %arg0, %c0_i32 : i32, i32
  }
  func.func @transform_8(%arg0: i32) -> (i32, i32) {
    %c0_i32 = arith.constant 0 : i32
    %c0_i32_0 = arith.constant 0 : i32
    return %arg0, %c0_i32 : i32, i32
  }
}

module attributes {stable_mosaic.version = 14 : i64} {
  func.func @_tc4_body(%arg0: i32, %arg1: memref<1000x128xf32, #tpu.memory_space<vmem>>, %arg2: memref<1000x128xf32, #tpu.memory_space<vmem>>, %arg3: memref<1000x1xf32, #tpu.memory_space<vmem>>, %arg4: memref<1000x128xf32, #tpu.memory_space<vmem>>, %arg5: memref<128x128xf32, #tpu.memory_space<vmem>>, %arg6: memref<1x128xf32, #tpu.memory_space<vmem>>, %arg7: memref<128x4xf32, #tpu.memory_space<vmem>>, %arg8: memref<1x4xf32, #tpu.memory_space<vmem>>, %arg9: memref<1000x4xf32, #tpu.memory_space<vmem>>, %arg10: memref<1000x4xf32, #tpu.memory_space<vmem>>) attributes {dimension_semantics = [#tpu.dimension_semantics<arbitrary>], iteration_bounds = array<i64: 10>, scalar_prefetch = 0 : i64, scratch_operands = 0 : i64, tpu.core_type = #tpu.core_type<tc>, window_params = [{transform_indices = @transform_0, window_bounds = array<i64: 1000, 128>}, {transform_indices = @transform_1, window_bounds = array<i64: 1000, 128>}, {transform_indices = @transform_2, window_bounds = array<i64: 1000, 1>}, {transform_indices = @transform_3, window_bounds = array<i64: 1000, 128>}, {pipeline_mode = #tpu.pipeline_mode<synchronous>, transform_indices = @transform_4, window_bounds = array<i64: 128, 128>}, {pipeline_mode = #tpu.pipeline_mode<synchronous>, transform_indices = @transform_5, window_bounds = array<i64: 1, 128>}, {pipeline_mode = #tpu.pipeline_mode<synchronous>, transform_indices = @transform_6, window_bounds = array<i64: 128, 4>}, {pipeline_mode = #tpu.pipeline_mode<synchronous>, transform_indices = @transform_7, window_bounds = array<i64: 1, 4>}, {transform_indices = @transform_8, window_bounds = array<i64: 1000, 4>}, {transform_indices = @transform_9, window_bounds = array<i64: 1000, 4>}]} {
    %get3A = arith.constant 0 : index
    %get3A_0 = arith.constant 0 : index
    %get3A_1 = vector.load %arg1[%get3A, %get3A_0] : memref<1000x128xf32, #tpu.memory_space<vmem>>, vector<1000x128xf32>
    %get3A_2 = arith.constant 0 : index
    %get3A_3 = arith.constant 0 : index
    %get3A_4 = vector.load %arg2[%get3A_2, %get3A_3] : memref<1000x128xf32, #tpu.memory_space<vmem>>, vector<1000x128xf32>
    %add3A = arith.addf %get3A_1, %get3A_4 : vector<1000x128xf32>
    %get3A_5 = arith.constant 0 : index
    %get3A_6 = arith.constant 0 : index
    %get3A_7 = vector.load %arg3[%get3A_5, %get3A_6] : memref<1000x1xf32, #tpu.memory_space<vmem>>, vector<1000x1xf32>
    %mul3A = vector.broadcast %get3A_7 : vector<1000x1xf32> to vector<1000x128xf32>
    %mul3A_8 = arith.mulf %add3A, %mul3A : vector<1000x128xf32>
    %get3A_9 = arith.constant 0 : index
    %get3A_10 = arith.constant 0 : index
    %get3A_11 = vector.load %arg6[%get3A_9, %get3A_10] : memref<1x128xf32, #tpu.memory_space<vmem>>, vector<1x128xf32>
    %add3A_12 = vector.broadcast %get3A_11 : vector<1x128xf32> to vector<1000x128xf32>
    %add3A_13 = arith.addf %mul3A_8, %add3A_12 : vector<1000x128xf32>
    %get3A_14 = arith.constant 0 : index
    %get3A_15 = arith.constant 0 : index
    %get3A_16 = vector.load %arg4[%get3A_14, %get3A_15] : memref<1000x128xf32, #tpu.memory_space<vmem>>, vector<1000x128xf32>
    %get3A_17 = arith.constant 0 : index
    %get3A_18 = arith.constant 0 : index
    %get3A_19 = vector.load %arg5[%get3A_17, %get3A_18] : memref<128x128xf32, #tpu.memory_space<vmem>>, vector<128x128xf32>
    %dot_general3A = arith.constant dense<0.000000e+00> : vector<1000x128xf32>
    %dot_general3A_20 = tpu.matmul %get3A_16, %get3A_19, %dot_general3A {dimension_numbers = #tpu.dot_dimension_numbers<[1], [0], [0], [1], [0, 0, 1, 1], [], []>, transpose_lhs_hint = false} : vector<1000x128xf32>, vector<128x128xf32>, vector<1000x128xf32> -> vector<1000x128xf32>
    %add3A_21 = arith.addf %add3A_13, %dot_general3A_20 : vector<1000x128xf32>
    %max3A = arith.constant 0.000000e+00 : f32
    %max3A_22 = vector.broadcast %max3A : f32 to vector<1000x128xf32>
    %max3A_23 = arith.maximumf %add3A_21, %max3A_22 : vector<1000x128xf32>
    %get3A_24 = arith.constant 0 : index
    %get3A_25 = arith.constant 0 : index
    %get3A_26 = vector.load %arg9[%get3A_24, %get3A_25] : memref<1000x4xf32, #tpu.memory_space<vmem>>, vector<1000x4xf32>
    %get3A_27 = arith.constant 0 : index
    %get3A_28 = arith.constant 0 : index
    %get3A_29 = vector.load %arg7[%get3A_27, %get3A_28] : memref<128x4xf32, #tpu.memory_space<vmem>>, vector<128x4xf32>
    %dot_general3A_30 = arith.constant dense<0.000000e+00> : vector<1000x4xf32>
    %dot_general3A_31 = tpu.matmul %max3A_23, %get3A_29, %dot_general3A_30 {dimension_numbers = #tpu.dot_dimension_numbers<[1], [0], [0], [1], [0, 0, 1, 1], [], []>, transpose_lhs_hint = false} : vector<1000x128xf32>, vector<128x4xf32>, vector<1000x4xf32> -> vector<1000x4xf32>
    %add3A_32 = arith.addf %get3A_26, %dot_general3A_31 : vector<1000x4xf32>
    %get3A_33 = arith.constant 0 : index
    %get3A_34 = arith.constant 0 : index
    %get3A_35 = vector.load %arg8[%get3A_33, %get3A_34] : memref<1x4xf32, #tpu.memory_space<vmem>>, vector<1x4xf32>
    %add3A_36 = vector.broadcast %get3A_35 : vector<1x4xf32> to vector<1000x4xf32>
    %add3A_37 = arith.addf %add3A_32, %add3A_36 : vector<1000x4xf32>
    %swap3A = arith.constant 0 : index
    %swap3A_38 = arith.constant 0 : index
    %swap3A_39 = vector.load %arg10[%swap3A, %swap3A_38] : memref<1000x4xf32, #tpu.memory_space<vmem>>, vector<1000x4xf32>
    tpu.vector_store %arg10[%swap3A, %swap3A_38], %add3A_37 {strides = array<i32>} : memref<1000x4xf32, #tpu.memory_space<vmem>>, vector<1000x4xf32>,
    return
  }
  func.func @transform_0(%arg0: i32) -> (i32, i32) {
    %c0_i32 = arith.constant 0 : i32
    %c0_i32_0 = arith.constant 0 : i32
    return %arg0, %c0_i32 : i32, i32
  }
  func.func @transform_1(%arg0: i32) -> (i32, i32) {
    %c0_i32 = arith.constant 0 : i32
    %c0_i32_0 = arith.constant 0 : i32
    return %arg0, %c0_i32 : i32, i32
  }
  func.func @transform_2(%arg0: i32) -> (i32, i32) {
    %c0_i32 = arith.constant 0 : i32
    %c0_i32_0 = arith.constant 0 : i32
    return %arg0, %c0_i32 : i32, i32
  }
  func.func @transform_3(%arg0: i32) -> (i32, i32) {
    %c0_i32 = arith.constant 0 : i32
    %c0_i32_0 = arith.constant 0 : i32
    return %arg0, %c0_i32 : i32, i32
  }
  func.func @transform_4(%arg0: i32) -> (i32, i32) {
    %c0_i32 = arith.constant 0 : i32
    %c0_i32_0 = arith.constant 0 : i32
    %c0_i32_1 = arith.constant 0 : i32
    return %c0_i32, %c0_i32_0 : i32, i32
  }
  func.func @transform_5(%arg0: i32) -> (i32, i32) {
    %c0_i32 = arith.constant 0 : i32
    %c0_i32_0 = arith.constant 0 : i32
    %c0_i32_1 = arith.constant 0 : i32
    return %c0_i32, %c0_i32_0 : i32, i32
  }
  func.func @transform_6(%arg0: i32) -> (i32, i32) {
    %c0_i32 = arith.constant 0 : i32
    %c0_i32_0 = arith.constant 0 : i32
    %c0_i32_1 = arith.constant 0 : i32
    return %c0_i32, %c0_i32_0 : i32, i32
  }
  func.func @transform_7(%arg0: i32) -> (i32, i32) {
    %c0_i32 = arith.constant 0 : i32
    %c0_i32_0 = arith.constant 0 : i32
    %c0_i32_1 = arith.constant 0 : i32
    return %c0_i32, %c0_i32_0 : i32, i32
  }
  func.func @transform_8(%arg0: i32) -> (i32, i32) {
    %c0_i32 = arith.constant 0 : i32
    %c0_i32_0 = arith.constant 0 : i32
    return %arg0, %c0_i32 : i32, i32
  }
  func.func @transform_9(%arg0: i32) -> (i32, i32) {
    %c0_i32 = arith.constant 0 : i32
    %c0_i32_0 = arith.constant 0 : i32
    return %arg0, %c0_i32 : i32, i32
  }
}

</mosaic_0001>

<sc_bundles>
// kernel: kernel.10.cloned.1.call-start
scs
__scs_entry_jumppad:
0x0: {  	(pc) =	sbr.rel $0x88, $3  }
0x1: {  	(tag) =	ssettag $0x0;
	lr =	simm.s32 $0x1  }
0x2: {  	[smem:$0x3F90] =	sst lr;
	_ =	strace $0xD0000000  }
0x3: {  	_ = 	snop  }
0x4: {  	_ = 	snop  }
0x5: {  	_ = 	snop  }
0x6: {  	_ = 	snop  }
0x7: {  	_ = 	snop  }
__scs_overlays_trampoline_lowered:
0x8: {  	[smem:$0x3F9F] =	sst s0  }
0x9: {  	[smem:$0x3FA0] =	sst s1  }
0xa: {  	[smem:$0x3FA1] =	sst s2  }
0xb: {  	[smem:$0x3FA2] =	sst s3  }
0xc: {  	[smem:$0x3FA3] =	sst s4  }
0xd: {  	[smem:$0x3FA4] =	sst s5  }
0xe: {  	[smem:$0x3FA5] =	sst s6  }
0xf: {  	[smem:$0x3FA6] =	sst s7  }
0x10: {  	[smem:$0x3FA7] =	sst s8  }
0x11: {  	[smem:$0x3FA8] =	sst s9;
	s0 =	simm.s32 @!p0 $0x0  }
0x12: {  	s1 =	sld [smem:$0x3F8E];
	s0 =	simm.s32 @p0 $0x1  }
0x13: {  	[smem:$0x3FA9] =	sst s0;
	s0 =	simm.s32 @!p1 $0x0  }
0x14: {  	s2 =	sld [smem:$0x3F8D];
	s0 =	simm.s32 @p1 $0x1  }
0x15: {  	[smem:$0x3FAA] =	sst s0;
	s0 =	simm.s32 @!p2 $0x0  }
0x16: {  	s3 =	sld [smem:$0x3FDB];
	s0 =	simm.s32 @p2 $0x1  }
0x17: {  	s4 =	simm.s32 $0x1BF5;
	[smem:$0x3FAC] =	sst s0  }
0x18: {  	s0 =	sld [smem:$0x3F8F];
	_ =	swait.ge [sflag:s4], $0x0  }
0x19: {  	s7 =	sld [smem:$0x3F90]  }
0x1a: {  	s8 =	sadd.s32 $0xFFFFE003, lr  }
0x1b: {  	s9 =	sadd.s32 $0xFFFFFEF7, lr;
	s5 =	simm.s32 $0xFFFFFFFF;
	p2 =	slt.u32 s8, $0xFFFFF086  }
0x1c: {  	p1 =	slt.u32 s9, $0xF7A;
	s5 =	simm.s32 @!p2 $0x0  }
0x1d: {  	s5 =	simm.s32 @p1 $0x1;
	p0 =	seq.s32 s7, s2  }
0x1e: {  	s7 =	smul.u32 @!p0 $0xF7A, s2;
	p2 =	seq.s32 @!p0 s5, $0x0  }
0x1f: {  	s9 =	smul.u32 $0xF7A, s1;
	s8 =	simm.s32 @!p0 $0x1BF5;
	p2 =	por !p2, p0  }
0x20: {  	[sflag:s8] =	ssyncset.s32 @!p0 $0xFFFFF086;
	s6 =	sadd.s32 @!p0 s3, s7;
	s7 =	simm.s32 @!p0 $0x108  }
0x21: {  	s3 =	sadd.s32 s3, s9;
	s6 =	sadd.s32 @!p0 $0x88, s6;
	s7 =	simm.s32 @p2 $0x1082  }
0x22: {  	[simem:s7], [sflag:s8] =	dma.local @!p0 [hbm:s6], $0xF7A  }
0x23: {  	s9 =	sor.u32 $0xD0000000, s2;
	s6 =	simm.s32 $0x108;
	_ =	swait.ge @!p0 [sflag:s8], $0x0  }
0x24: {  	s3 =	sadd.s32 $0x88, s3;
	s6 =	simm.s32 @!p1 $0x1082;
	[sflag:s4] =	ssyncset.s32 $0xFFFFF086  }
0x25: {  	[simem:s6], [sflag:s4] =	dma.local [hbm:s3], $0xF7A  }
0x26: {  	[smem:$0x3F90] =	sst s1;
	(tag) =	ssettag s2;
	_ =	strace s9  }
0x27: {  	s1 =	sld [smem:$0x3FA0]  }
0x28: {  	s2 =	sld [smem:$0x3FA1]  }
0x29: {  	s4 =	sld [smem:$0x3FA3]  }
0x2a: {  	p0 =	seq.s32 s5, $0x0;
	s5 =	sld [smem:$0x3FA4]  }
0x2b: {  	s6 =	sld [smem:$0x3FA5]  }
0x2c: {  	s7 =	sld [smem:$0x3FA6]  }
0x2d: {  	s3 =	simm.s32 $0x108;
	s8 =	sld [smem:$0x3FA7]  }
0x2e: {  	s3 =	simm.s32 @!p0 $0x1082;
	s9 =	sld [smem:$0x3FA8]  }
0x2f: {  	lr =	sadd.s32 s0, s3;
	s0 =	sld [smem:$0x3F9F]  }
0x30: {  	s3 =	sld [smem:$0x3FA2]  }
0x31: {  	[smem:$0x3FAB] =	sst s10  }
0x32: {  	s10 =	sld [smem:$0x3FA9];
	_ =	sdelay $0x3  }
0x33: {  	p0 =	seq.s32 s10, $0x1;
	s10 =	sld [smem:$0x3FAB];
	_ =	sdelay $0x3  }
0x34: {  	[smem:$0x3FAB] =	sst s10  }
0x35: {  	s10 =	sld [smem:$0x3FAA];
	_ =	sdelay $0x3  }
0x36: {  	p1 =	seq.s32 s10, $0x1;
	s10 =	sld [smem:$0x3FAB];
	_ =	sdelay $0x3  }
0x37: {  	[smem:$0x3FAB] =	sst s10  }
0x38: {  	s10 =	sld [smem:$0x3FAC]  }
0x39: {  	_ = 	snop;
	(pc) =	sbr.ind lr, $3  }
0x3a: {  	_ = 	snop  }
0x3b: {  	_ = 	snop  }
0x3c: {  	p2 =	seq.s32 s10, $0x1;
	s10 =	sld [smem:$0x3FAB]  }
0x3d: {  	_ =	shalt  }
0x3e: {  	_ =	shalt  }
0x3f: {  	_ =	shalt  }
0x40: {  	_ =	shalt  }
0x41: {  	_ =	shalt  }
0x42: {  	_ =	shalt  }
0x43: {  	_ =	shalt  }
0x44: {  	_ =	shalt  }
0x45: {  	_ =	shalt  }
0x46: {  	_ =	shalt  }
0x47: {  	_ =	shalt  }
0x48: {  	_ =	shalt  }
0x49: {  	_ =	shalt  }
0x4a: {  	_ =	shalt  }
0x4b: {  	_ =	shalt  }
0x4c: {  	_ =	shalt  }
0x4d: {  	_ =	shalt  }
0x4e: {  	_ =	shalt  }
0x4f: {  	_ =	shalt  }
0x50: {  	_ =	shalt  }
0x51: {  	_ =	shalt  }
0x52: {  	_ =	shalt  }
0x53: {  	_ =	shalt  }
0x54: {  	_ =	shalt  }
0x55: {  	_ =	shalt  }
0x56: {  	_ =	shalt  }
0x57: {  	_ =	shalt  }
0x58: {  	_ =	shalt  }
0x59: {  	_ =	shalt  }
0x5a: {  	_ =	shalt  }
0x5b: {  	_ =	shalt  }
0x5c: {  	_ =	shalt  }
0x5d: {  	_ =	shalt  }
0x5e: {  	_ =	shalt  }
0x5f: {  	_ =	shalt  }
0x60: {  	_ =	shalt  }
0x61: {  	_ =	shalt  }
0x62: {  	_ =	shalt  }
0x63: {  	_ =	shalt  }
0x64: {  	_ =	shalt  }
0x65: {  	_ =	shalt  }
0x66: {  	_ =	shalt  }
0x67: {  	_ =	shalt  }
0x68: {  	_ =	shalt  }
0x69: {  	_ =	shalt  }
0x6a: {  	_ =	shalt  }
0x6b: {  	_ =	shalt  }
0x6c: {  	_ =	shalt  }
0x6d: {  	_ =	shalt  }
0x6e: {  	_ =	shalt  }
0x6f: {  	_ =	shalt  }
0x70: {  	_ =	shalt  }
0x71: {  	_ =	shalt  }
0x72: {  	_ =	shalt  }
0x73: {  	_ =	shalt  }
0x74: {  	_ =	shalt  }
0x75: {  	_ =	shalt  }
0x76: {  	_ =	shalt  }
0x77: {  	_ =	shalt  }
0x78: {  	_ =	shalt  }
0x79: {  	_ =	shalt  }
0x7a: {  	_ =	shalt  }
0x7b: {  	_ =	shalt  }
0x7c: {  	_ =	shalt  }
0x7d: {  	_ =	shalt  }
0x7e: {  	_ =	shalt  }
0x7f: {  	_ =	shalt  }
0x80: {  	_ =	shalt  }
0x81: {  	_ =	shalt  }
0x82: {  	_ =	shalt  }
0x83: {  	_ =	shalt  }
0x84: {  	_ =	shalt  }
0x85: {  	_ =	shalt  }
0x86: {  	_ =	shalt  }
0x87: {  	_ =	shalt  }
.Lfunc_end0:
.L_simem_size_0:
called_computation_lowered:
.L_overlay_start_0:
0x88: {  	s2 =	sld [smem:$0x3FD9]  }
0x89: {  	s3 =	sld [smem:$0x3FFE];
	_ =	sdelay $0x1  }
0x8a: {  	s1 =	srdreg.scid  }
0x8b: {  	s0 =	sand.u32 $0x1, s1  }
0x8c: {  	s16 =	sshll.u32 s0, $0xA;
	s2 =	sadd.s32 s3, s2  }
0x8d: {  	s2 =	sadd.s32 s2, s16  }
0x8e: {  	[smem:$0x3FB7] =	sst s2  }
0x8f: {  	_ = 	snop  }
0x90: {  	(tm) =	ssettm $0x1  }
0x91: {  	s17 =	sld [smem:$0x3FFB];
	_ =	sdelay $0x3  }
0x92: {  	_ =	strace s17  }
0x93: {  	s2 =	sld [smem:$0x3FFC];
	_ =	sdelay $0x3  }
0x94: {  	_ =	strace s2  }
0x95: {  	s2 =	sld [smem:$0x3FFD];
	_ =	sdelay $0x3  }
0x96: {  	_ =	strace s2  }
0x97: {  	_ =	strace $0x8FFFFFFF  }
0x98: {  	s18 =	sld [smem:$0x3FDB];
	_ =	sdelay $0x1  }
0x99: {  	s19 =	simm.s32 $_scs_section_size  }
0x9a: {  	s4 =	simm.s32 $_size__tile_overlayer_lowered;
	s5 =	simm.s32 $_tile_overlayer_lowered  }
0x9b: {  	s22 =	simm.s32 $0x1BFF;
	s21 =	sshll.u32 s5, $0x1;
	s2 =	sadd.s32 s19, s18  }
0x9c: {  	s6 =	simm.s32 $0x0;
	s20 =	sshll.u32 s4, $0x1;
	s4 =	sadd.s32 s21, s2  }
0x9d: {  	[timem:s6], [sflag:s22] =	dma.local [hbm:s4], s20  }
0x9e: {  	_ =	swait.ge [sflag:s22], s20  }
0x9f: {  	s3 =	ssub.s32 $0x0, s20;
	[sflag:s22] =	ssyncset.done $0x0  }
0xa0: {  	[sflag:s22] =	ssyncadd.s32 s3;
	_ =	sdelay $0x1  }
0xa1: {  	s23 =	simm.s32 $0x1B8B  }
0xa2: {  	_ =	swait.ge [sflag:s23], $0x1  }
0xa3: {  	[sflag:s23] =	ssyncset.done $0x0  }
0xa4: {  	s25 =	simm.s32 $0x1B8E;
	s24 =	sld [smem:$0x3FFE];
	[sflag:s23] =	ssyncadd.s32 $0xFFFFFFFF  }
0xa5: {  	s26 =	simm.s32 $execute0_lowered;
	[smem:$0x3FD2] =	sst s25  }
0xa6: {  	s4 =	sshll.u32 s26, $0x1;
	_ =	strace $0x80000046;
	[dreg:$0x1] =	wrdreg $0xFFFFFFFF  }
0xa7: {  	s28 =	simm.s32 $_size_execute0_lowered;
	s2 =	sadd.s32 s2, s4;
	[dreg:$0x0] =	wrdreg $0x0  }
0xa8: {  	s4 =	sshll.u32 s28, $0x1;
	[dreg:$0x2] =	wrdreg s2  }
0xa9: {  	[dreg:$0x3] =	wrdreg s4  }
0xaa: {  	[dreg:$0x4] =	wrdreg $0xC0  }
0xab: {  	_ =	task [dreg:s6], $0x5FFFF  }
0xac: {  	[dreg:$0x1] =	wrdreg $0xFFFFFFFF  }
0xad: {  	[dreg:$0x0] =	wrdreg $0x60  }
0xae: {  	[dreg:$0x2] =	wrdreg s24  }
0xaf: {  	[dreg:$0x3] =	wrdreg $0x90000  }
0xb0: {  	[dreg:$0x4] =	wrdreg $0x9  }
0xb1: {  	_ =	task.clear_ibuf [dreg:s6], $0x5FFFF;
	_ =	strace $0x90000046  }
0xb2: {  	s29 =	simm.s32 $0x9;
	_ =	strace $0x80000048  }
0xb3: {  	_ =	swait.ge [sflag:s29], $0x1  }
0xb4: {  	[sflag:s29] =	ssyncadd.s32 $0xFFFFFFFF  }
0xb5: {  	_ =	strace $0x90000048  }
0xb6: {  	_ =	sfence  }
0xb7: {  	s30 =	sld [smem:$0x0];
	_ =	sdelay $0x2  }
0xb8: {  	s31 =	sshll.u32 s1, $0xD;
	s1 =	sshrl.u32 s1, $0x2  }
0xb9: {  	s3 =	sand.u32 $0x4000, s31;
	s1 =	sadd.s32 s1, s30  }
0xba: {  	s0 =	sor.u32 s3, s0;
	s1 =	sshll.u32 s1, $0x11  }
0xbb: {  	s0 =	sor.u32 s1, s0  }
0xbc: {  	s0 =	sadd.s32 $0x8F2B, s0  }
0xbd: {  	[sflag:s0] =	ssyncadd.remote.s32 $0x1  }
0xbe: {  	_ =	sfence.sel $0xFFFF  }
0xbf: {  	[dreg:$0x0] =	wrdreg $0xFFFFFFFF;
	(pc) =	sbr.abs _section_cstart, $3  }
0xc0: {  	[dreg:$0x1] =	wrdreg $0xFFFFFFFF  }
0xc1: {  	_ =	task.clear_ibuf [dreg:s6], $0x2FFFF;
	_ =	strace $0x9FFFFFFF  }
0xc2: {  	(tm) =	ssettm $0x7FFFFFFF  }
0xc3: {  	_ =	shalt  }
tec
execute0_lowered:
.L_overlay_start_1:
0x0: {  	(tag) =	ssettag $0x1  }
0x1: {  	s0 =	srdreg.scid;
	s6 =	rddreg [dreg:$0x0]  }
0x2: {  	s2 =	rddreg [dreg:$0x1];
	s1 =	stileid.u32  }
0x3: {  	s3 =	simm.s32 $0x0;
	s13 =	simm.s32 $0x2;
	s14 =	simm.s32 $0x2800  }
0x4: {  	s15 =	simm.s32 $0x80;
	s16 =	simm.s32 $0x5000;
	s17 =	simm.s32 $0x1  }
0x5: {  	s20 =	simm.s32 $0x0;
	s7 =	sand.u32 $0x1, s0;
	s0 =	rddreg [dreg:$0x2]  }
0x6: {  	[smem:$0x7FF] =	sst s3;
	s9 =	smul.u32 $0x4F000, s1;
	s10 =	sadd.s32 $0x90E00, s6  }
0x7: {  	s12 =	smul.u32 $0x13C00, s1;
	s29 =	sshll.u32 s1, $0x6;
	s18 =	sadd.s32 $0x128400, s2  }
0x8: {  	p0 =	seq.s32 s1, $0xF;
	s4 =	sshll.u32 s7, $0x4;
	_ =	strace $0x80000047  }
0x9: {  	s28 =	ssub.s32 $0x2, s7;
	s7 =	smul.u32 $0x138800, s7;
	s18 =	sshrl.u32 @p0 s18, $0x3  }
0xa: {  	s4 =	sor.u32 s1, s4;
	s11 =	sshrl.u32 s28, $0x1;
	s9 =	sshrl.u32 s9, $0x2  }
0xb: {  	s5 =	smul.u32 $0x500, s4;
	s4 =	sadd.s32 $0x40200, s6;
	s11 =	ssub.s32 s28, s11  }
0xc: {  	s19 =	sadd.s32 s9, s2;
	s30 =	sadd.s32 s12, s7;
	s31 =	sshrl.u32 s7, $0x3  }
0xd: {  	s9 =	sshrl.u32 s30, $0x3;
	s12 =	sadd.s32 s10, s31;
	s11 =	smax.u32 s11, $0x1  }
0xe: {  	s8 =	sadd.s32 s5, s6;
	s5 =	sadd.s32 $0x8E600, s6;
	s6 =	sor.u32 $0x1C02, s29  }
0xf: {  	s9 =	sadd.s32 s10, s9;
	s10 =	sadd.s32 $0x25080, s12;
	s12 =	sshrl.u32 s19, $0x3  }
0x10: {  	s19 =	sshrl.u32 @!p0 s19, $0x3;
	s7 =	sadd.s32 $0xF000, s8;
	s8 =	sadd.s32 $0x5000, s8  }
.LBB2_1:
0x11: {  	[spmem:s12], [sflag:s6] =	dma.local [hbm:s5], $0x2780  }
0x12: {  	_ =	swait.ge [sflag:s13], $0x2780  }
0x13: {  	[sflag:s13] =	ssyncset.done $0x0  }
0x14: {  	[sflag:s13] =	ssyncadd.s32 $0xFFFFD880  }
0x15: {  	[tilespmem:s3], [sflag:$0x2] =	stream.linear.gather [hbm4b:s7+s3], $0x2780, $0x38;
	[tilespmem:$0x1CC00] =	vst v63  }
0x16: {  	_ =	swait.ge [sflag:s13], $0x2780  }
0x17: {  	[sflag:s13] =	ssyncset.done $0x0  }
0x18: {  	[sflag:s13] =	ssyncadd.s32 $0xFFFFD880  }
0x19: {  	[tilespmem:s14], [sflag:$0x2] =	stream.linear.gather [hbm4b:s8+s3], $0x2780, $0x38;
	[tilespmem:$0x1CC00] =	vst v63  }
0x1a: {  	_ =	swait.ge [sflag:s13], $0x2780  }
0x1b: {  	[sflag:s13] =	ssyncset.done $0x0  }
0x1c: {  	[sflag:s13] =	ssyncadd.s32 $0xFFFFD880  }
0x1d: {  	s21 =	simm.s32 $0x0;
	[bflag:$0x0] =	sbarrier.arrive $0xFFFF  }
0x1e: {  	[tilespmem:s16], [sflag:$0x1] =	stream.indirect.gather [hbm4b:s4+s15], $0x80, s21, s15, $0xb8;
	[tilespmem:$0x1CC00] =	vst v63  }
0x1f: {  	_ =	swait.ge [sflag:s17], $0x4000  }
0x20: {  	[sflag:s17] =	ssyncset.done $0x0  }
0x21: {  	s31 =	simm.s32 $0x2800;
	[sflag:s17] =	ssyncadd.s32 $0xFFFFC000  }
0x22: {  	[spmem:s2] =	stream.indirect.scatter.add.f32 [tilespmem:s16], [sflag:$0x2], $0x80, s31, s15, $0xb8;
	[tilespmem:$0x1CC00] =	vst v63  }
0x23: {  	_ =	swait.ge [sflag:s13], $0x4000  }
0x24: {  	s22 =	simm.s32 $0x400;
	s21 =	simm.s32 $0x200;
	[sflag:s13] =	ssyncset.done $0x0  }
.LBB2_2:
0x25: {  	s23 =	sshra.s32 s21, $0x2  }
0x26: {  	[sflag:s13] =	ssyncadd.s32 $0xFFFFC000;
	s21 =	smov.u32 s22;
	s24 =	sadd.s32 $0x200, s22  }
0x27: {  	[tilespmem:s16], [sflag:$0x1] =	stream.indirect.gather [hbm4b:s4+s15], $0x80, s23, s15, $0xb8;
	[tilespmem:$0x1CC00] =	vst v63  }
0x28: {  	p1 =	sne.s32 s22, $0x9C00;
	_ =	swait.ge [sflag:s17], $0x4000  }
.Ltmp0:
0x29: {  	[sflag:s17] =	ssyncset.done $0x0;
	(pc) =	sbr.rel @p1 .LBB2_2-.Ltmp0, $4  }
0x2a: {  	s22 =	sadd.s32 $0x2800, s23;
	[sflag:s17] =	ssyncadd.s32 $0xFFFFC000  }
0x2b: {  	[spmem:s2] =	stream.indirect.scatter.add.f32 [tilespmem:s16], [sflag:$0x2], $0x80, s22, s15, $0xb8;
	[tilespmem:$0x1CC00] =	vst v63  }
0x2c: {  	_ =	swait.ge [sflag:s13], $0x4000  }
0x2d: {  	s22 =	smov.u32 s24;
	[sflag:s13] =	ssyncset.done $0x0  }
0x2e: {  	s21 =	sshra.s32 s21, $0x2;
	[sflag:s13] =	ssyncadd.s32 $0xFFFFC000  }
0x2f: {  	[tilespmem:s16], [sflag:$0x1] =	stream.indirect.gather [hbm4b:s4+s15], $0x80, s21, s15, $0xb8;
	[tilespmem:$0x1CC00] =	vst v63  }
0x30: {  	_ =	swait.ge [sflag:s17], $0x4000  }
0x31: {  	[sflag:s17] =	ssyncset.done $0x0  }
0x32: {  	s21 =	sadd.s32 $0x2800, s21;
	[sflag:s17] =	ssyncadd.s32 $0xFFFFC000  }
0x33: {  	[spmem:s2] =	stream.indirect.scatter.add.f32 [tilespmem:s16], [sflag:$0x2], $0x80, s21, s15, $0xb8;
	[tilespmem:$0x1CC00] =	vst v63  }
0x34: {  	_ =	swait.ge [sflag:s13], $0x4000  }
0x35: {  	[sflag:s13] =	ssyncset.done $0x0  }
0x36: {  	[sflag:s13] =	ssyncadd.s32 $0xFFFFC000  }
0x37: {  	s21 =	simm.s32 @p0 $0x2;
	[bflag:$0x0] =	sbarrier.arrive $0xFFFF  }
0x38: {  	[hbm:s10], [sflag:s6] =	dma.local @p0 [spmem:s18], $0x2080  }
0x39: {  	s20 =	sadd.s32 $0x1, s20;
	_ =	swait.ge @p0 [sflag:s21], $0x2080  }
0x3a: {  	p1 =	sne.s32 s20, s11;
	[sflag:s21] =	ssyncset.done @p0 $0x0  }
.Ltmp1:
0x3b: {  	[sflag:s21] =	ssyncadd.s32 @p0 $0xFFFFDF80;
	s21 =	simm.s32 @!p0 $0x2;
	(pc) =	sbr.rel @p1 .LBB2_1-.Ltmp1, $4  }
0x3c: {  	[hbm:s9], [sflag:s6] =	dma.local @!p0 [spmem:s19], $0x2780  }
0x3d: {  	_ =	swait.ge @!p0 [sflag:s21], $0x2780  }
0x3e: {  	[sflag:s21] =	ssyncset.done @!p0 $0x0  }
0x3f: {  	[sflag:s21] =	ssyncadd.s32 @!p0 $0xFFFFD880  }
0x40: {  	_ =	sfence.sel $0x180000  }
0x41: {  	[bflag:$0x0] =	sbarrier.arrive $0xFFFF  }
0x42: {  	p0 =	sne.s32 s1, $0x0;
	_ =	strace $0x90000047  }
0x43: {  	s0 =	sadd.s32 @!p0 $0x100000, s0;
	[bflag:$0x2] =	sbarrier.arrive $0xFFFF  }
0x44: {  	[sflag:s0] =	ssyncadd.tile.s32 @!p0 $0x1;
	_ =	shalt  }
.Lfunc_end2:
_tile_overlayer_lowered:
.L_overlay_start_2:
0x45: {  	(tag) =	ssettag $0x2  }
0x46: {  	s0 =	rddreg [dreg:$0x0];
	s2 =	stileid.u32  }
0x47: {  	s1 =	rddreg [dreg:$0x1];
	p0 =	sne.s32 s2, $0x0  }
0x48: {  	s3 =	rddreg [dreg:$0x2];
	[bflag:$0x3] =	sbarrier.arrive $0xFFFF;
	s2 =	simm.s32 @!p0 $0x1C02  }
0x49: {  	[timem:s3], [sflag:s2] =	dma.local @!p0 [hbm:s0], s1  }
0x4a: {  	s0 =	simm.s32 @!p0 $0x2  }
0x4b: {  	_ =	swait.ge @!p0 [sflag:s0], s1  }
0x4c: {  	s1 =	ssub.s32 @!p0 $0x0, s1;
	[sflag:s0] =	ssyncset.done @!p0 $0x0  }
0x4d: {  	[sflag:s0] =	ssyncadd.s32 @!p0 s1  }
0x4e: {  	[bflag:$0x3] =	sbarrier.arrive $0xFFFF  }
0x4f: {  	_ =	shalt  }

// kernel: kernel.13.cloned.1.call-start
scs
__scs_entry_jumppad:
0x0: {  	(pc) =	sbr.rel $0x88, $3  }
0x1: {  	(tag) =	ssettag $0x0;
	lr =	simm.s32 $0x1  }
0x2: {  	[smem:$0x3F90] =	sst lr;
	_ =	strace $0xD0000000  }
0x3: {  	_ = 	snop  }
0x4: {  	_ = 	snop  }
0x5: {  	_ = 	snop  }
0x6: {  	_ = 	snop  }
0x7: {  	_ = 	snop  }
__scs_overlays_trampoline_lowered:
0x8: {  	[smem:$0x3F9F] =	sst s0  }
0x9: {  	[smem:$0x3FA0] =	sst s1  }
0xa: {  	[smem:$0x3FA1] =	sst s2  }
0xb: {  	[smem:$0x3FA2] =	sst s3  }
0xc: {  	[smem:$0x3FA3] =	sst s4  }
0xd: {  	[smem:$0x3FA4] =	sst s5  }
0xe: {  	[smem:$0x3FA5] =	sst s6  }
0xf: {  	[smem:$0x3FA6] =	sst s7  }
0x10: {  	[smem:$0x3FA7] =	sst s8  }
0x11: {  	[smem:$0x3FA8] =	sst s9;
	s0 =	simm.s32 @!p0 $0x0  }
0x12: {  	s1 =	sld [smem:$0x3F8E];
	s0 =	simm.s32 @p0 $0x1  }
0x13: {  	[smem:$0x3FA9] =	sst s0;
	s0 =	simm.s32 @!p1 $0x0  }
0x14: {  	s2 =	sld [smem:$0x3F8D];
	s0 =	simm.s32 @p1 $0x1  }
0x15: {  	[smem:$0x3FAA] =	sst s0;
	s0 =	simm.s32 @!p2 $0x0  }
0x16: {  	s3 =	sld [smem:$0x3FDB];
	s0 =	simm.s32 @p2 $0x1  }
0x17: {  	s4 =	simm.s32 $0x1BF5;
	[smem:$0x3FAC] =	sst s0  }
0x18: {  	s0 =	sld [smem:$0x3F8F];
	_ =	swait.ge [sflag:s4], $0x0  }
0x19: {  	s7 =	sld [smem:$0x3F90]  }
0x1a: {  	s8 =	sadd.s32 $0xFFFFE003, lr  }
0x1b: {  	s9 =	sadd.s32 $0xFFFFFEF7, lr;
	s5 =	simm.s32 $0xFFFFFFFF;
	p2 =	slt.u32 s8, $0xFFFFF086  }
0x1c: {  	p1 =	slt.u32 s9, $0xF7A;
	s5 =	simm.s32 @!p2 $0x0  }
0x1d: {  	s5 =	simm.s32 @p1 $0x1;
	p0 =	seq.s32 s7, s2  }
0x1e: {  	s7 =	smul.u32 @!p0 $0xF7A, s2;
	p2 =	seq.s32 @!p0 s5, $0x0  }
0x1f: {  	s9 =	smul.u32 $0xF7A, s1;
	s8 =	simm.s32 @!p0 $0x1BF5;
	p2 =	por !p2, p0  }
0x20: {  	[sflag:s8] =	ssyncset.s32 @!p0 $0xFFFFF086;
	s6 =	sadd.s32 @!p0 s3, s7;
	s7 =	simm.s32 @!p0 $0x108  }
0x21: {  	s3 =	sadd.s32 s3, s9;
	s6 =	sadd.s32 @!p0 $0x88, s6;
	s7 =	simm.s32 @p2 $0x1082  }
0x22: {  	[simem:s7], [sflag:s8] =	dma.local @!p0 [hbm:s6], $0xF7A  }
0x23: {  	s9 =	sor.u32 $0xD0000000, s2;
	s6 =	simm.s32 $0x108;
	_ =	swait.ge @!p0 [sflag:s8], $0x0  }
0x24: {  	s3 =	sadd.s32 $0x88, s3;
	s6 =	simm.s32 @!p1 $0x1082;
	[sflag:s4] =	ssyncset.s32 $0xFFFFF086  }
0x25: {  	[simem:s6], [sflag:s4] =	dma.local [hbm:s3], $0xF7A  }
0x26: {  	[smem:$0x3F90] =	sst s1;
	(tag) =	ssettag s2;
	_ =	strace s9  }
0x27: {  	s1 =	sld [smem:$0x3FA0]  }
0x28: {  	s2 =	sld [smem:$0x3FA1]  }
0x29: {  	s4 =	sld [smem:$0x3FA3]  }
0x2a: {  	p0 =	seq.s32 s5, $0x0;
	s5 =	sld [smem:$0x3FA4]  }
0x2b: {  	s6 =	sld [smem:$0x3FA5]  }
0x2c: {  	s7 =	sld [smem:$0x3FA6]  }
0x2d: {  	s3 =	simm.s32 $0x108;
	s8 =	sld [smem:$0x3FA7]  }
0x2e: {  	s3 =	simm.s32 @!p0 $0x1082;
	s9 =	sld [smem:$0x3FA8]  }
0x2f: {  	lr =	sadd.s32 s0, s3;
	s0 =	sld [smem:$0x3F9F]  }
0x30: {  	s3 =	sld [smem:$0x3FA2]  }
0x31: {  	[smem:$0x3FAB] =	sst s10  }
0x32: {  	s10 =	sld [smem:$0x3FA9];
	_ =	sdelay $0x3  }
0x33: {  	p0 =	seq.s32 s10, $0x1;
	s10 =	sld [smem:$0x3FAB];
	_ =	sdelay $0x3  }
0x34: {  	[smem:$0x3FAB] =	sst s10  }
0x35: {  	s10 =	sld [smem:$0x3FAA];
	_ =	sdelay $0x3  }
0x36: {  	p1 =	seq.s32 s10, $0x1;
	s10 =	sld [smem:$0x3FAB];
	_ =	sdelay $0x3  }
0x37: {  	[smem:$0x3FAB] =	sst s10  }
0x38: {  	s10 =	sld [smem:$0x3FAC]  }
0x39: {  	_ = 	snop;
	(pc) =	sbr.ind lr, $3  }
0x3a: {  	_ = 	snop  }
0x3b: {  	_ = 	snop  }
0x3c: {  	p2 =	seq.s32 s10, $0x1;
	s10 =	sld [smem:$0x3FAB]  }
0x3d: {  	_ =	shalt  }
0x3e: {  	_ =	shalt  }
0x3f: {  	_ =	shalt  }
0x40: {  	_ =	shalt  }
0x41: {  	_ =	shalt  }
0x42: {  	_ =	shalt  }
0x43: {  	_ =	shalt  }
0x44: {  	_ =	shalt  }
0x45: {  	_ =	shalt  }
0x46: {  	_ =	shalt  }
0x47: {  	_ =	shalt  }
0x48: {  	_ =	shalt  }
0x49: {  	_ =	shalt  }
0x4a: {  	_ =	shalt  }
0x4b: {  	_ =	shalt  }
0x4c: {  	_ =	shalt  }
0x4d: {  	_ =	shalt  }
0x4e: {  	_ =	shalt  }
0x4f: {  	_ =	shalt  }
0x50: {  	_ =	shalt  }
0x51: {  	_ =	shalt  }
0x52: {  	_ =	shalt  }
0x53: {  	_ =	shalt  }
0x54: {  	_ =	shalt  }
0x55: {  	_ =	shalt  }
0x56: {  	_ =	shalt  }
0x57: {  	_ =	shalt  }
0x58: {  	_ =	shalt  }
0x59: {  	_ =	shalt  }
0x5a: {  	_ =	shalt  }
0x5b: {  	_ =	shalt  }
0x5c: {  	_ =	shalt  }
0x5d: {  	_ =	shalt  }
0x5e: {  	_ =	shalt  }
0x5f: {  	_ =	shalt  }
0x60: {  	_ =	shalt  }
0x61: {  	_ =	shalt  }
0x62: {  	_ =	shalt  }
0x63: {  	_ =	shalt  }
0x64: {  	_ =	shalt  }
0x65: {  	_ =	shalt  }
0x66: {  	_ =	shalt  }
0x67: {  	_ =	shalt  }
0x68: {  	_ =	shalt  }
0x69: {  	_ =	shalt  }
0x6a: {  	_ =	shalt  }
0x6b: {  	_ =	shalt  }
0x6c: {  	_ =	shalt  }
0x6d: {  	_ =	shalt  }
0x6e: {  	_ =	shalt  }
0x6f: {  	_ =	shalt  }
0x70: {  	_ =	shalt  }
0x71: {  	_ =	shalt  }
0x72: {  	_ =	shalt  }
0x73: {  	_ =	shalt  }
0x74: {  	_ =	shalt  }
0x75: {  	_ =	shalt  }
0x76: {  	_ =	shalt  }
0x77: {  	_ =	shalt  }
0x78: {  	_ =	shalt  }
0x79: {  	_ =	shalt  }
0x7a: {  	_ =	shalt  }
0x7b: {  	_ =	shalt  }
0x7c: {  	_ =	shalt  }
0x7d: {  	_ =	shalt  }
0x7e: {  	_ =	shalt  }
0x7f: {  	_ =	shalt  }
0x80: {  	_ =	shalt  }
0x81: {  	_ =	shalt  }
0x82: {  	_ =	shalt  }
0x83: {  	_ =	shalt  }
0x84: {  	_ =	shalt  }
0x85: {  	_ =	shalt  }
0x86: {  	_ =	shalt  }
0x87: {  	_ =	shalt  }
.Lfunc_end0:
.L_simem_size_0:
called_computation.1_lowered:
.L_overlay_start_0:
0x88: {  	s2 =	sld [smem:$0x3FD9]  }
0x89: {  	s3 =	sld [smem:$0x3FFE];
	_ =	sdelay $0x1  }
0x8a: {  	s1 =	srdreg.scid  }
0x8b: {  	s0 =	sand.u32 $0x1, s1  }
0x8c: {  	s16 =	sshll.u32 s0, $0xA;
	s2 =	sadd.s32 s3, s2  }
0x8d: {  	s2 =	sadd.s32 s2, s16  }
0x8e: {  	[smem:$0x3FB7] =	sst s2  }
0x8f: {  	_ = 	snop  }
0x90: {  	(tm) =	ssettm $0x1  }
0x91: {  	s17 =	sld [smem:$0x3FFB];
	_ =	sdelay $0x3  }
0x92: {  	_ =	strace s17  }
0x93: {  	s2 =	sld [smem:$0x3FFC];
	_ =	sdelay $0x3  }
0x94: {  	_ =	strace s2  }
0x95: {  	s2 =	sld [smem:$0x3FFD];
	_ =	sdelay $0x3  }
0x96: {  	_ =	strace s2  }
0x97: {  	_ =	strace $0x8FFFFFFF  }
0x98: {  	s18 =	sld [smem:$0x3FDB];
	_ =	sdelay $0x1  }
0x99: {  	s19 =	simm.s32 $_scs_section_size  }
0x9a: {  	s4 =	simm.s32 $_size__tile_overlayer_lowered;
	s5 =	simm.s32 $_tile_overlayer_lowered  }
0x9b: {  	s22 =	simm.s32 $0x1BFF;
	s21 =	sshll.u32 s5, $0x1;
	s2 =	sadd.s32 s19, s18  }
0x9c: {  	s6 =	simm.s32 $0x0;
	s20 =	sshll.u32 s4, $0x1;
	s4 =	sadd.s32 s21, s2  }
0x9d: {  	[timem:s6], [sflag:s22] =	dma.local [hbm:s4], s20  }
0x9e: {  	_ =	swait.ge [sflag:s22], s20  }
0x9f: {  	s3 =	ssub.s32 $0x0, s20;
	[sflag:s22] =	ssyncset.done $0x0  }
0xa0: {  	[sflag:s22] =	ssyncadd.s32 s3;
	_ =	sdelay $0x1  }
0xa1: {  	s23 =	simm.s32 $0x1B8B  }
0xa2: {  	_ =	swait.ge [sflag:s23], $0x1  }
0xa3: {  	[sflag:s23] =	ssyncset.done $0x0  }
0xa4: {  	s25 =	simm.s32 $0x1B8E;
	s24 =	sld [smem:$0x3FFE];
	[sflag:s23] =	ssyncadd.s32 $0xFFFFFFFF  }
0xa5: {  	s26 =	simm.s32 $execute0_lowered;
	[smem:$0x3FD2] =	sst s25  }
0xa6: {  	s4 =	sshll.u32 s26, $0x1;
	_ =	strace $0x80000049;
	[dreg:$0x1] =	wrdreg $0xFFFFFFFF  }
0xa7: {  	s28 =	simm.s32 $_size_execute0_lowered;
	s2 =	sadd.s32 s2, s4;
	[dreg:$0x0] =	wrdreg $0x0  }
0xa8: {  	s4 =	sshll.u32 s28, $0x1;
	[dreg:$0x2] =	wrdreg s2  }
0xa9: {  	[dreg:$0x3] =	wrdreg s4  }
0xaa: {  	[dreg:$0x4] =	wrdreg $0xC0  }
0xab: {  	_ =	task [dreg:s6], $0x5FFFF  }
0xac: {  	[dreg:$0x1] =	wrdreg $0xFFFFFFFF  }
0xad: {  	[dreg:$0x0] =	wrdreg $0x60  }
0xae: {  	[dreg:$0x2] =	wrdreg s24  }
0xaf: {  	[dreg:$0x3] =	wrdreg $0x90000  }
0xb0: {  	[dreg:$0x4] =	wrdreg $0x9  }
0xb1: {  	_ =	task.clear_ibuf [dreg:s6], $0x5FFFF;
	_ =	strace $0x90000049  }
0xb2: {  	s29 =	simm.s32 $0x9;
	_ =	strace $0x8000004B  }
0xb3: {  	_ =	swait.ge [sflag:s29], $0x1  }
0xb4: {  	[sflag:s29] =	ssyncadd.s32 $0xFFFFFFFF  }
0xb5: {  	_ =	strace $0x9000004B  }
0xb6: {  	_ =	sfence  }
0xb7: {  	s30 =	sld [smem:$0x0];
	_ =	sdelay $0x2  }
0xb8: {  	s31 =	sshll.u32 s1, $0xD;
	s1 =	sshrl.u32 s1, $0x2  }
0xb9: {  	s3 =	sand.u32 $0x4000, s31;
	s1 =	sadd.s32 s1, s30  }
0xba: {  	s0 =	sor.u32 s3, s0;
	s1 =	sshll.u32 s1, $0x11  }
0xbb: {  	s0 =	sor.u32 s1, s0  }
0xbc: {  	s0 =	sadd.s32 $0x8F2B, s0  }
0xbd: {  	[sflag:s0] =	ssyncadd.remote.s32 $0x1  }
0xbe: {  	_ =	sfence.sel $0xFFFF  }
0xbf: {  	[dreg:$0x0] =	wrdreg $0xFFFFFFFF;
	(pc) =	sbr.abs _section_cstart, $3  }
0xc0: {  	[dreg:$0x1] =	wrdreg $0xFFFFFFFF  }
0xc1: {  	_ =	task.clear_ibuf [dreg:s6], $0x2FFFF;
	_ =	strace $0x9FFFFFFF  }
0xc2: {  	(tm) =	ssettm $0x7FFFFFFF  }
0xc3: {  	_ =	shalt  }
tec
execute0_lowered:
.L_overlay_start_1:
0x0: {  	(tag) =	ssettag $0x1  }
0x1: {  	s0 =	srdreg.scid;
	s6 =	rddreg [dreg:$0x0]  }
0x2: {  	s2 =	rddreg [dreg:$0x1];
	s1 =	stileid.u32  }
0x3: {  	s3 =	simm.s32 $0x0;
	s13 =	simm.s32 $0x2;
	s14 =	simm.s32 $0x2800  }
0x4: {  	s15 =	simm.s32 $0x80;
	s16 =	simm.s32 $0x5000;
	s17 =	simm.s32 $0x1  }
0x5: {  	s20 =	simm.s32 $0x0;
	s7 =	sand.u32 $0x1, s0;
	s0 =	rddreg [dreg:$0x2]  }
0x6: {  	[smem:$0x7FF] =	sst s3;
	s9 =	smul.u32 $0x4F000, s1;
	s10 =	sadd.s32 $0xB8000, s6  }
0x7: {  	s12 =	smul.u32 $0x13C00, s1;
	s29 =	sshll.u32 s1, $0x6;
	s18 =	sadd.s32 $0x128400, s2  }
0x8: {  	p0 =	seq.s32 s1, $0xF;
	s4 =	sshll.u32 s7, $0x4;
	_ =	strace $0x8000004A  }
0x9: {  	s28 =	ssub.s32 $0x2, s7;
	s7 =	smul.u32 $0x138800, s7;
	s18 =	sshrl.u32 @p0 s18, $0x3  }
0xa: {  	s4 =	sor.u32 s1, s4;
	s11 =	sshrl.u32 s28, $0x1;
	s9 =	sshrl.u32 s9, $0x2  }
0xb: {  	s5 =	smul.u32 $0x500, s4;
	s4 =	sadd.s32 $0x40200, s6;
	s11 =	ssub.s32 s28, s11  }
0xc: {  	s19 =	sadd.s32 s9, s2;
	s30 =	sadd.s32 s12, s7;
	s31 =	sshrl.u32 s7, $0x3  }
0xd: {  	s9 =	sshrl.u32 s30, $0x3;
	s12 =	sadd.s32 s10, s31;
	s11 =	smax.u32 s11, $0x1  }
0xe: {  	s8 =	sadd.s32 s5, s6;
	s5 =	sadd.s32 $0x8E600, s6;
	s6 =	sor.u32 $0x1C02, s29  }
0xf: {  	s9 =	sadd.s32 s10, s9;
	s10 =	sadd.s32 $0x25080, s12;
	s12 =	sshrl.u32 s19, $0x3  }
0x10: {  	s19 =	sshrl.u32 @!p0 s19, $0x3;
	s7 =	sadd.s32 $0xF000, s8;
	s8 =	sadd.s32 $0x5000, s8  }
.LBB2_1:
0x11: {  	[spmem:s12], [sflag:s6] =	dma.local [hbm:s5], $0x2780  }
0x12: {  	_ =	swait.ge [sflag:s13], $0x2780  }
0x13: {  	[sflag:s13] =	ssyncset.done $0x0  }
0x14: {  	[sflag:s13] =	ssyncadd.s32 $0xFFFFD880  }
0x15: {  	[tilespmem:s3], [sflag:$0x2] =	stream.linear.gather [hbm4b:s7+s3], $0x2780, $0x38;
	[tilespmem:$0x1CC00] =	vst v63  }
0x16: {  	_ =	swait.ge [sflag:s13], $0x2780  }
0x17: {  	[sflag:s13] =	ssyncset.done $0x0  }
0x18: {  	[sflag:s13] =	ssyncadd.s32 $0xFFFFD880  }
0x19: {  	[tilespmem:s14], [sflag:$0x2] =	stream.linear.gather [hbm4b:s8+s3], $0x2780, $0x38;
	[tilespmem:$0x1CC00] =	vst v63  }
0x1a: {  	_ =	swait.ge [sflag:s13], $0x2780  }
0x1b: {  	[sflag:s13] =	ssyncset.done $0x0  }
0x1c: {  	[sflag:s13] =	ssyncadd.s32 $0xFFFFD880  }
0x1d: {  	s21 =	simm.s32 $0x0;
	[bflag:$0x0] =	sbarrier.arrive $0xFFFF  }
0x1e: {  	[tilespmem:s16], [sflag:$0x1] =	stream.indirect.gather [hbm4b:s4+s15], $0x80, s21, s15, $0xb8;
	[tilespmem:$0x1CC00] =	vst v63  }
0x1f: {  	_ =	swait.ge [sflag:s17], $0x4000  }
0x20: {  	[sflag:s17] =	ssyncset.done $0x0  }
0x21: {  	s31 =	simm.s32 $0x2800;
	[sflag:s17] =	ssyncadd.s32 $0xFFFFC000  }
0x22: {  	[spmem:s2] =	stream.indirect.scatter.add.f32 [tilespmem:s16], [sflag:$0x2], $0x80, s31, s15, $0xb8;
	[tilespmem:$0x1CC00] =	vst v63  }
0x23: {  	_ =	swait.ge [sflag:s13], $0x4000  }
0x24: {  	s22 =	simm.s32 $0x400;
	s21 =	simm.s32 $0x200;
	[sflag:s13] =	ssyncset.done $0x0  }
.LBB2_2:
0x25: {  	s23 =	sshra.s32 s21, $0x2  }
0x26: {  	[sflag:s13] =	ssyncadd.s32 $0xFFFFC000;
	s21 =	smov.u32 s22;
	s24 =	sadd.s32 $0x200, s22  }
0x27: {  	[tilespmem:s16], [sflag:$0x1] =	stream.indirect.gather [hbm4b:s4+s15], $0x80, s23, s15, $0xb8;
	[tilespmem:$0x1CC00] =	vst v63  }
0x28: {  	p1 =	sne.s32 s22, $0x9C00;
	_ =	swait.ge [sflag:s17], $0x4000  }
.Ltmp0:
0x29: {  	[sflag:s17] =	ssyncset.done $0x0;
	(pc) =	sbr.rel @p1 .LBB2_2-.Ltmp0, $4  }
0x2a: {  	s22 =	sadd.s32 $0x2800, s23;
	[sflag:s17] =	ssyncadd.s32 $0xFFFFC000  }
0x2b: {  	[spmem:s2] =	stream.indirect.scatter.add.f32 [tilespmem:s16], [sflag:$0x2], $0x80, s22, s15, $0xb8;
	[tilespmem:$0x1CC00] =	vst v63  }
0x2c: {  	_ =	swait.ge [sflag:s13], $0x4000  }
0x2d: {  	s22 =	smov.u32 s24;
	[sflag:s13] =	ssyncset.done $0x0  }
0x2e: {  	s21 =	sshra.s32 s21, $0x2;
	[sflag:s13] =	ssyncadd.s32 $0xFFFFC000  }
0x2f: {  	[tilespmem:s16], [sflag:$0x1] =	stream.indirect.gather [hbm4b:s4+s15], $0x80, s21, s15, $0xb8;
	[tilespmem:$0x1CC00] =	vst v63  }
0x30: {  	_ =	swait.ge [sflag:s17], $0x4000  }
0x31: {  	[sflag:s17] =	ssyncset.done $0x0  }
0x32: {  	s21 =	sadd.s32 $0x2800, s21;
	[sflag:s17] =	ssyncadd.s32 $0xFFFFC000  }
0x33: {  	[spmem:s2] =	stream.indirect.scatter.add.f32 [tilespmem:s16], [sflag:$0x2], $0x80, s21, s15, $0xb8;
	[tilespmem:$0x1CC00] =	vst v63  }
0x34: {  	_ =	swait.ge [sflag:s13], $0x4000  }
0x35: {  	[sflag:s13] =	ssyncset.done $0x0  }
0x36: {  	[sflag:s13] =	ssyncadd.s32 $0xFFFFC000  }
0x37: {  	s21 =	simm.s32 @p0 $0x2;
	[bflag:$0x0] =	sbarrier.arrive $0xFFFF  }
0x38: {  	[hbm:s10], [sflag:s6] =	dma.local @p0 [spmem:s18], $0x2080  }
0x39: {  	s20 =	sadd.s32 $0x1, s20;
	_ =	swait.ge @p0 [sflag:s21], $0x2080  }
0x3a: {  	p1 =	sne.s32 s20, s11;
	[sflag:s21] =	ssyncset.done @p0 $0x0  }
.Ltmp1:
0x3b: {  	[sflag:s21] =	ssyncadd.s32 @p0 $0xFFFFDF80;
	s21 =	simm.s32 @!p0 $0x2;
	(pc) =	sbr.rel @p1 .LBB2_1-.Ltmp1, $4  }
0x3c: {  	[hbm:s9], [sflag:s6] =	dma.local @!p0 [spmem:s19], $0x2780  }
0x3d: {  	_ =	swait.ge @!p0 [sflag:s21], $0x2780  }
0x3e: {  	[sflag:s21] =	ssyncset.done @!p0 $0x0  }
0x3f: {  	[sflag:s21] =	ssyncadd.s32 @!p0 $0xFFFFD880  }
0x40: {  	_ =	sfence.sel $0x180000  }
0x41: {  	[bflag:$0x0] =	sbarrier.arrive $0xFFFF  }
0x42: {  	p0 =	sne.s32 s1, $0x0;
	_ =	strace $0x9000004A  }
0x43: {  	s0 =	sadd.s32 @!p0 $0x100000, s0;
	[bflag:$0x2] =	sbarrier.arrive $0xFFFF  }
0x44: {  	[sflag:s0] =	ssyncadd.tile.s32 @!p0 $0x1;
	_ =	shalt  }
.Lfunc_end2:
_tile_overlayer_lowered:
.L_overlay_start_2:
0x45: {  	(tag) =	ssettag $0x2  }
0x46: {  	s0 =	rddreg [dreg:$0x0];
	s2 =	stileid.u32  }
0x47: {  	s1 =	rddreg [dreg:$0x1];
	p0 =	sne.s32 s2, $0x0  }
0x48: {  	s3 =	rddreg [dreg:$0x2];
	[bflag:$0x3] =	sbarrier.arrive $0xFFFF;
	s2 =	simm.s32 @!p0 $0x1C02  }
0x49: {  	[timem:s3], [sflag:s2] =	dma.local @!p0 [hbm:s0], s1  }
0x4a: {  	s0 =	simm.s32 @!p0 $0x2  }
0x4b: {  	_ =	swait.ge @!p0 [sflag:s0], s1  }
0x4c: {  	s1 =	ssub.s32 @!p0 $0x0, s1;
	[sflag:s0] =	ssyncset.done @!p0 $0x0  }
0x4d: {  	[sflag:s0] =	ssyncadd.s32 @!p0 s1  }
0x4e: {  	[bflag:$0x3] =	sbarrier.arrive $0xFFFF  }
0x4f: {  	_ =	shalt  }

// kernel: kernel.16.cloned.1.call-start
scs
__scs_entry_jumppad:
0x0: {  	(pc) =	sbr.rel $0x88, $3  }
0x1: {  	(tag) =	ssettag $0x0;
	lr =	simm.s32 $0x1  }
0x2: {  	[smem:$0x3F90] =	sst lr;
	_ =	strace $0xD0000000  }
0x3: {  	_ = 	snop  }
0x4: {  	_ = 	snop  }
0x5: {  	_ = 	snop  }
0x6: {  	_ = 	snop  }
0x7: {  	_ = 	snop  }
__scs_overlays_trampoline_lowered:
0x8: {  	[smem:$0x3F9F] =	sst s0  }
0x9: {  	[smem:$0x3FA0] =	sst s1  }
0xa: {  	[smem:$0x3FA1] =	sst s2  }
0xb: {  	[smem:$0x3FA2] =	sst s3  }
0xc: {  	[smem:$0x3FA3] =	sst s4  }
0xd: {  	[smem:$0x3FA4] =	sst s5  }
0xe: {  	[smem:$0x3FA5] =	sst s6  }
0xf: {  	[smem:$0x3FA6] =	sst s7  }
0x10: {  	[smem:$0x3FA7] =	sst s8  }
0x11: {  	[smem:$0x3FA8] =	sst s9;
	s0 =	simm.s32 @!p0 $0x0  }
0x12: {  	s1 =	sld [smem:$0x3F8E];
	s0 =	simm.s32 @p0 $0x1  }
0x13: {  	[smem:$0x3FA9] =	sst s0;
	s0 =	simm.s32 @!p1 $0x0  }
0x14: {  	s2 =	sld [smem:$0x3F8D];
	s0 =	simm.s32 @p1 $0x1  }
0x15: {  	[smem:$0x3FAA] =	sst s0;
	s0 =	simm.s32 @!p2 $0x0  }
0x16: {  	s3 =	sld [smem:$0x3FDB];
	s0 =	simm.s32 @p2 $0x1  }
0x17: {  	s4 =	simm.s32 $0x1BF5;
	[smem:$0x3FAC] =	sst s0  }
0x18: {  	s0 =	sld [smem:$0x3F8F];
	_ =	swait.ge [sflag:s4], $0x0  }
0x19: {  	s7 =	sld [smem:$0x3F90]  }
0x1a: {  	s8 =	sadd.s32 $0xFFFFE003, lr  }
0x1b: {  	s9 =	sadd.s32 $0xFFFFFEF7, lr;
	s5 =	simm.s32 $0xFFFFFFFF;
	p2 =	slt.u32 s8, $0xFFFFF086  }
0x1c: {  	p1 =	slt.u32 s9, $0xF7A;
	s5 =	simm.s32 @!p2 $0x0  }
0x1d: {  	s5 =	simm.s32 @p1 $0x1;
	p0 =	seq.s32 s7, s2  }
0x1e: {  	s7 =	smul.u32 @!p0 $0xF7A, s2;
	p2 =	seq.s32 @!p0 s5, $0x0  }
0x1f: {  	s9 =	smul.u32 $0xF7A, s1;
	s8 =	simm.s32 @!p0 $0x1BF5;
	p2 =	por !p2, p0  }
0x20: {  	[sflag:s8] =	ssyncset.s32 @!p0 $0xFFFFF086;
	s6 =	sadd.s32 @!p0 s3, s7;
	s7 =	simm.s32 @!p0 $0x108  }
0x21: {  	s3 =	sadd.s32 s3, s9;
	s6 =	sadd.s32 @!p0 $0x88, s6;
	s7 =	simm.s32 @p2 $0x1082  }
0x22: {  	[simem:s7], [sflag:s8] =	dma.local @!p0 [hbm:s6], $0xF7A  }
0x23: {  	s9 =	sor.u32 $0xD0000000, s2;
	s6 =	simm.s32 $0x108;
	_ =	swait.ge @!p0 [sflag:s8], $0x0  }
0x24: {  	s3 =	sadd.s32 $0x88, s3;
	s6 =	simm.s32 @!p1 $0x1082;
	[sflag:s4] =	ssyncset.s32 $0xFFFFF086  }
0x25: {  	[simem:s6], [sflag:s4] =	dma.local [hbm:s3], $0xF7A  }
0x26: {  	[smem:$0x3F90] =	sst s1;
	(tag) =	ssettag s2;
	_ =	strace s9  }
0x27: {  	s1 =	sld [smem:$0x3FA0]  }
0x28: {  	s2 =	sld [smem:$0x3FA1]  }
0x29: {  	s4 =	sld [smem:$0x3FA3]  }
0x2a: {  	p0 =	seq.s32 s5, $0x0;
	s5 =	sld [smem:$0x3FA4]  }
0x2b: {  	s6 =	sld [smem:$0x3FA5]  }
0x2c: {  	s7 =	sld [smem:$0x3FA6]  }
0x2d: {  	s3 =	simm.s32 $0x108;
	s8 =	sld [smem:$0x3FA7]  }
0x2e: {  	s3 =	simm.s32 @!p0 $0x1082;
	s9 =	sld [smem:$0x3FA8]  }
0x2f: {  	lr =	sadd.s32 s0, s3;
	s0 =	sld [smem:$0x3F9F]  }
0x30: {  	s3 =	sld [smem:$0x3FA2]  }
0x31: {  	[smem:$0x3FAB] =	sst s10  }
0x32: {  	s10 =	sld [smem:$0x3FA9];
	_ =	sdelay $0x3  }
0x33: {  	p0 =	seq.s32 s10, $0x1;
	s10 =	sld [smem:$0x3FAB];
	_ =	sdelay $0x3  }
0x34: {  	[smem:$0x3FAB] =	sst s10  }
0x35: {  	s10 =	sld [smem:$0x3FAA];
	_ =	sdelay $0x3  }
0x36: {  	p1 =	seq.s32 s10, $0x1;
	s10 =	sld [smem:$0x3FAB];
	_ =	sdelay $0x3  }
0x37: {  	[smem:$0x3FAB] =	sst s10  }
0x38: {  	s10 =	sld [smem:$0x3FAC]  }
0x39: {  	_ = 	snop;
	(pc) =	sbr.ind lr, $3  }
0x3a: {  	_ = 	snop  }
0x3b: {  	_ = 	snop  }
0x3c: {  	p2 =	seq.s32 s10, $0x1;
	s10 =	sld [smem:$0x3FAB]  }
0x3d: {  	_ =	shalt  }
0x3e: {  	_ =	shalt  }
0x3f: {  	_ =	shalt  }
0x40: {  	_ =	shalt  }
0x41: {  	_ =	shalt  }
0x42: {  	_ =	shalt  }
0x43: {  	_ =	shalt  }
0x44: {  	_ =	shalt  }
0x45: {  	_ =	shalt  }
0x46: {  	_ =	shalt  }
0x47: {  	_ =	shalt  }
0x48: {  	_ =	shalt  }
0x49: {  	_ =	shalt  }
0x4a: {  	_ =	shalt  }
0x4b: {  	_ =	shalt  }
0x4c: {  	_ =	shalt  }
0x4d: {  	_ =	shalt  }
0x4e: {  	_ =	shalt  }
0x4f: {  	_ =	shalt  }
0x50: {  	_ =	shalt  }
0x51: {  	_ =	shalt  }
0x52: {  	_ =	shalt  }
0x53: {  	_ =	shalt  }
0x54: {  	_ =	shalt  }
0x55: {  	_ =	shalt  }
0x56: {  	_ =	shalt  }
0x57: {  	_ =	shalt  }
0x58: {  	_ =	shalt  }
0x59: {  	_ =	shalt  }
0x5a: {  	_ =	shalt  }
0x5b: {  	_ =	shalt  }
0x5c: {  	_ =	shalt  }
0x5d: {  	_ =	shalt  }
0x5e: {  	_ =	shalt  }
0x5f: {  	_ =	shalt  }
0x60: {  	_ =	shalt  }
0x61: {  	_ =	shalt  }
0x62: {  	_ =	shalt  }
0x63: {  	_ =	shalt  }
0x64: {  	_ =	shalt  }
0x65: {  	_ =	shalt  }
0x66: {  	_ =	shalt  }
0x67: {  	_ =	shalt  }
0x68: {  	_ =	shalt  }
0x69: {  	_ =	shalt  }
0x6a: {  	_ =	shalt  }
0x6b: {  	_ =	shalt  }
0x6c: {  	_ =	shalt  }
0x6d: {  	_ =	shalt  }
0x6e: {  	_ =	shalt  }
0x6f: {  	_ =	shalt  }
0x70: {  	_ =	shalt  }
0x71: {  	_ =	shalt  }
0x72: {  	_ =	shalt  }
0x73: {  	_ =	shalt  }
0x74: {  	_ =	shalt  }
0x75: {  	_ =	shalt  }
0x76: {  	_ =	shalt  }
0x77: {  	_ =	shalt  }
0x78: {  	_ =	shalt  }
0x79: {  	_ =	shalt  }
0x7a: {  	_ =	shalt  }
0x7b: {  	_ =	shalt  }
0x7c: {  	_ =	shalt  }
0x7d: {  	_ =	shalt  }
0x7e: {  	_ =	shalt  }
0x7f: {  	_ =	shalt  }
0x80: {  	_ =	shalt  }
0x81: {  	_ =	shalt  }
0x82: {  	_ =	shalt  }
0x83: {  	_ =	shalt  }
0x84: {  	_ =	shalt  }
0x85: {  	_ =	shalt  }
0x86: {  	_ =	shalt  }
0x87: {  	_ =	shalt  }
.Lfunc_end0:
.L_simem_size_0:
called_computation.2_lowered:
.L_overlay_start_0:
0x88: {  	s2 =	sld [smem:$0x3FD9]  }
0x89: {  	s3 =	sld [smem:$0x3FFE];
	_ =	sdelay $0x1  }
0x8a: {  	s1 =	srdreg.scid  }
0x8b: {  	s0 =	sand.u32 $0x1, s1  }
0x8c: {  	s16 =	sshll.u32 s0, $0xA;
	s2 =	sadd.s32 s3, s2  }
0x8d: {  	s2 =	sadd.s32 s2, s16  }
0x8e: {  	[smem:$0x3FB7] =	sst s2  }
0x8f: {  	_ = 	snop  }
0x90: {  	(tm) =	ssettm $0x1  }
0x91: {  	s17 =	sld [smem:$0x3FFB];
	_ =	sdelay $0x3  }
0x92: {  	_ =	strace s17  }
0x93: {  	s2 =	sld [smem:$0x3FFC];
	_ =	sdelay $0x3  }
0x94: {  	_ =	strace s2  }
0x95: {  	s2 =	sld [smem:$0x3FFD];
	_ =	sdelay $0x3  }
0x96: {  	_ =	strace s2  }
0x97: {  	_ =	strace $0x8FFFFFFF  }
0x98: {  	s18 =	sld [smem:$0x3FDB];
	_ =	sdelay $0x1  }
0x99: {  	s19 =	simm.s32 $_scs_section_size  }
0x9a: {  	s4 =	simm.s32 $_size__tile_overlayer_lowered;
	s5 =	simm.s32 $_tile_overlayer_lowered  }
0x9b: {  	s22 =	simm.s32 $0x1BFF;
	s21 =	sshll.u32 s5, $0x1;
	s2 =	sadd.s32 s19, s18  }
0x9c: {  	s6 =	simm.s32 $0x0;
	s20 =	sshll.u32 s4, $0x1;
	s4 =	sadd.s32 s21, s2  }
0x9d: {  	[timem:s6], [sflag:s22] =	dma.local [hbm:s4], s20  }
0x9e: {  	_ =	swait.ge [sflag:s22], s20  }
0x9f: {  	s3 =	ssub.s32 $0x0, s20;
	[sflag:s22] =	ssyncset.done $0x0  }
0xa0: {  	[sflag:s22] =	ssyncadd.s32 s3;
	_ =	sdelay $0x1  }
0xa1: {  	s23 =	simm.s32 $0x1B8B  }
0xa2: {  	_ =	swait.ge [sflag:s23], $0x1  }
0xa3: {  	[sflag:s23] =	ssyncset.done $0x0  }
0xa4: {  	s25 =	simm.s32 $0x1B8E;
	s24 =	sld [smem:$0x3FFE];
	[sflag:s23] =	ssyncadd.s32 $0xFFFFFFFF  }
0xa5: {  	s26 =	simm.s32 $execute0_lowered;
	[smem:$0x3FD2] =	sst s25  }
0xa6: {  	s4 =	sshll.u32 s26, $0x1;
	_ =	strace $0x8000004C;
	[dreg:$0x1] =	wrdreg $0xFFFFFFFF  }
0xa7: {  	s28 =	simm.s32 $_size_execute0_lowered;
	s2 =	sadd.s32 s2, s4;
	[dreg:$0x0] =	wrdreg $0x0  }
0xa8: {  	s4 =	sshll.u32 s28, $0x1;
	[dreg:$0x2] =	wrdreg s2  }
0xa9: {  	[dreg:$0x3] =	wrdreg s4  }
0xaa: {  	[dreg:$0x4] =	wrdreg $0xC0  }
0xab: {  	_ =	task [dreg:s6], $0x5FFFF  }
0xac: {  	[dreg:$0x1] =	wrdreg $0xFFFFFFFF  }
0xad: {  	[dreg:$0x0] =	wrdreg $0x60  }
0xae: {  	[dreg:$0x2] =	wrdreg s24  }
0xaf: {  	[dreg:$0x3] =	wrdreg $0x90000  }
0xb0: {  	[dreg:$0x4] =	wrdreg $0x9  }
0xb1: {  	_ =	task.clear_ibuf [dreg:s6], $0x5FFFF;
	_ =	strace $0x9000004C  }
0xb2: {  	s29 =	simm.s32 $0x9;
	_ =	strace $0x8000004E  }
0xb3: {  	_ =	swait.ge [sflag:s29], $0x1  }
0xb4: {  	[sflag:s29] =	ssyncadd.s32 $0xFFFFFFFF  }
0xb5: {  	_ =	strace $0x9000004E  }
0xb6: {  	_ =	sfence  }
0xb7: {  	s30 =	sld [smem:$0x0];
	_ =	sdelay $0x2  }
0xb8: {  	s31 =	sshll.u32 s1, $0xD;
	s1 =	sshrl.u32 s1, $0x2  }
0xb9: {  	s3 =	sand.u32 $0x4000, s31;
	s1 =	sadd.s32 s1, s30  }
0xba: {  	s0 =	sor.u32 s3, s0;
	s1 =	sshll.u32 s1, $0x11  }
0xbb: {  	s0 =	sor.u32 s1, s0  }
0xbc: {  	s0 =	sadd.s32 $0x8F2B, s0  }
0xbd: {  	[sflag:s0] =	ssyncadd.remote.s32 $0x1  }
0xbe: {  	_ =	sfence.sel $0xFFFF  }
0xbf: {  	[dreg:$0x0] =	wrdreg $0xFFFFFFFF;
	(pc) =	sbr.abs _section_cstart, $3  }
0xc0: {  	[dreg:$0x1] =	wrdreg $0xFFFFFFFF  }
0xc1: {  	_ =	task.clear_ibuf [dreg:s6], $0x2FFFF;
	_ =	strace $0x9FFFFFFF  }
0xc2: {  	(tm) =	ssettm $0x7FFFFFFF  }
0xc3: {  	_ =	shalt  }
tec
execute0_lowered:
.L_overlay_start_1:
0x0: {  	(tag) =	ssettag $0x1  }
0x1: {  	s0 =	srdreg.scid;
	s6 =	rddreg [dreg:$0x0]  }
0x2: {  	s2 =	rddreg [dreg:$0x1];
	s1 =	stileid.u32  }
0x3: {  	s3 =	simm.s32 $0x0;
	s13 =	simm.s32 $0x2;
	s14 =	simm.s32 $0x2800  }
0x4: {  	s15 =	simm.s32 $0x80;
	s16 =	simm.s32 $0x5000;
	s17 =	simm.s32 $0x1  }
0x5: {  	s20 =	simm.s32 $0x0;
	s7 =	sand.u32 $0x1, s0;
	s0 =	rddreg [dreg:$0x2]  }
0x6: {  	[smem:$0x7FF] =	sst s3;
	s9 =	smul.u32 $0x4F000, s1;
	s10 =	sadd.s32 $0xB8000, s6  }
0x7: {  	s12 =	smul.u32 $0x13C00, s1;
	s29 =	sshll.u32 s1, $0x6;
	s18 =	sadd.s32 $0x128400, s2  }
0x8: {  	p0 =	seq.s32 s1, $0xF;
	s4 =	sshll.u32 s7, $0x4;
	_ =	strace $0x8000004D  }
0x9: {  	s28 =	ssub.s32 $0x2, s7;
	s7 =	smul.u32 $0x138800, s7;
	s18 =	sshrl.u32 @p0 s18, $0x3  }
0xa: {  	s4 =	sor.u32 s1, s4;
	s11 =	sshrl.u32 s28, $0x1;
	s9 =	sshrl.u32 s9, $0x2  }
0xb: {  	s5 =	smul.u32 $0x500, s4;
	s4 =	sadd.s32 $0x40200, s6;
	s11 =	ssub.s32 s28, s11  }
0xc: {  	s19 =	sadd.s32 s9, s2;
	s30 =	sadd.s32 s12, s7;
	s31 =	sshrl.u32 s7, $0x3  }
0xd: {  	s9 =	sshrl.u32 s30, $0x3;
	s12 =	sadd.s32 s10, s31;
	s11 =	smax.u32 s11, $0x1  }
0xe: {  	s8 =	sadd.s32 s5, s6;
	s5 =	sadd.s32 $0x8E600, s6;
	s6 =	sor.u32 $0x1C02, s29  }
0xf: {  	s9 =	sadd.s32 s10, s9;
	s10 =	sadd.s32 $0x25080, s12;
	s12 =	sshrl.u32 s19, $0x3  }
0x10: {  	s19 =	sshrl.u32 @!p0 s19, $0x3;
	s7 =	sadd.s32 $0xF000, s8;
	s8 =	sadd.s32 $0x5000, s8  }
.LBB2_1:
0x11: {  	[spmem:s12], [sflag:s6] =	dma.local [hbm:s5], $0x2780  }
0x12: {  	_ =	swait.ge [sflag:s13], $0x2780  }
0x13: {  	[sflag:s13] =	ssyncset.done $0x0  }
0x14: {  	[sflag:s13] =	ssyncadd.s32 $0xFFFFD880  }
0x15: {  	[tilespmem:s3], [sflag:$0x2] =	stream.linear.gather [hbm4b:s7+s3], $0x2780, $0x38;
	[tilespmem:$0x1CC00] =	vst v63  }
0x16: {  	_ =	swait.ge [sflag:s13], $0x2780  }
0x17: {  	[sflag:s13] =	ssyncset.done $0x0  }
0x18: {  	[sflag:s13] =	ssyncadd.s32 $0xFFFFD880  }
0x19: {  	[tilespmem:s14], [sflag:$0x2] =	stream.linear.gather [hbm4b:s8+s3], $0x2780, $0x38;
	[tilespmem:$0x1CC00] =	vst v63  }
0x1a: {  	_ =	swait.ge [sflag:s13], $0x2780  }
0x1b: {  	[sflag:s13] =	ssyncset.done $0x0  }
0x1c: {  	[sflag:s13] =	ssyncadd.s32 $0xFFFFD880  }
0x1d: {  	s21 =	simm.s32 $0x0;
	[bflag:$0x0] =	sbarrier.arrive $0xFFFF  }
0x1e: {  	[tilespmem:s16], [sflag:$0x1] =	stream.indirect.gather [hbm4b:s4+s15], $0x80, s21, s15, $0xb8;
	[tilespmem:$0x1CC00] =	vst v63  }
0x1f: {  	_ =	swait.ge [sflag:s17], $0x4000  }
0x20: {  	[sflag:s17] =	ssyncset.done $0x0  }
0x21: {  	s31 =	simm.s32 $0x2800;
	[sflag:s17] =	ssyncadd.s32 $0xFFFFC000  }
0x22: {  	[spmem:s2] =	stream.indirect.scatter.add.f32 [tilespmem:s16], [sflag:$0x2], $0x80, s31, s15, $0xb8;
	[tilespmem:$0x1CC00] =	vst v63  }
0x23: {  	_ =	swait.ge [sflag:s13], $0x4000  }
0x24: {  	s22 =	simm.s32 $0x400;
	s21 =	simm.s32 $0x200;
	[sflag:s13] =	ssyncset.done $0x0  }
.LBB2_2:
0x25: {  	s23 =	sshra.s32 s21, $0x2  }
0x26: {  	[sflag:s13] =	ssyncadd.s32 $0xFFFFC000;
	s21 =	smov.u32 s22;
	s24 =	sadd.s32 $0x200, s22  }
0x27: {  	[tilespmem:s16], [sflag:$0x1] =	stream.indirect.gather [hbm4b:s4+s15], $0x80, s23, s15, $0xb8;
	[tilespmem:$0x1CC00] =	vst v63  }
0x28: {  	p1 =	sne.s32 s22, $0x9C00;
	_ =	swait.ge [sflag:s17], $0x4000  }
.Ltmp0:
0x29: {  	[sflag:s17] =	ssyncset.done $0x0;
	(pc) =	sbr.rel @p1 .LBB2_2-.Ltmp0, $4  }
0x2a: {  	s22 =	sadd.s32 $0x2800, s23;
	[sflag:s17] =	ssyncadd.s32 $0xFFFFC000  }
0x2b: {  	[spmem:s2] =	stream.indirect.scatter.add.f32 [tilespmem:s16], [sflag:$0x2], $0x80, s22, s15, $0xb8;
	[tilespmem:$0x1CC00] =	vst v63  }
0x2c: {  	_ =	swait.ge [sflag:s13], $0x4000  }
0x2d: {  	s22 =	smov.u32 s24;
	[sflag:s13] =	ssyncset.done $0x0  }
0x2e: {  	s21 =	sshra.s32 s21, $0x2;
	[sflag:s13] =	ssyncadd.s32 $0xFFFFC000  }
0x2f: {  	[tilespmem:s16], [sflag:$0x1] =	stream.indirect.gather [hbm4b:s4+s15], $0x80, s21, s15, $0xb8;
	[tilespmem:$0x1CC00] =	vst v63  }
0x30: {  	_ =	swait.ge [sflag:s17], $0x4000  }
0x31: {  	[sflag:s17] =	ssyncset.done $0x0  }
0x32: {  	s21 =	sadd.s32 $0x2800, s21;
	[sflag:s17] =	ssyncadd.s32 $0xFFFFC000  }
0x33: {  	[spmem:s2] =	stream.indirect.scatter.add.f32 [tilespmem:s16], [sflag:$0x2], $0x80, s21, s15, $0xb8;
	[tilespmem:$0x1CC00] =	vst v63  }
0x34: {  	_ =	swait.ge [sflag:s13], $0x4000  }
0x35: {  	[sflag:s13] =	ssyncset.done $0x0  }
0x36: {  	[sflag:s13] =	ssyncadd.s32 $0xFFFFC000  }
0x37: {  	s21 =	simm.s32 @p0 $0x2;
	[bflag:$0x0] =	sbarrier.arrive $0xFFFF  }
0x38: {  	[hbm:s10], [sflag:s6] =	dma.local @p0 [spmem:s18], $0x2080  }
0x39: {  	s20 =	sadd.s32 $0x1, s20;
	_ =	swait.ge @p0 [sflag:s21], $0x2080  }
0x3a: {  	p1 =	sne.s32 s20, s11;
	[sflag:s21] =	ssyncset.done @p0 $0x0  }
.Ltmp1:
0x3b: {  	[sflag:s21] =	ssyncadd.s32 @p0 $0xFFFFDF80;
	s21 =	simm.s32 @!p0 $0x2;
	(pc) =	sbr.rel @p1 .LBB2_1-.Ltmp1, $4  }
0x3c: {  	[hbm:s9], [sflag:s6] =	dma.local @!p0 [spmem:s19], $0x2780  }
0x3d: {  	_ =	swait.ge @!p0 [sflag:s21], $0x2780  }
0x3e: {  	[sflag:s21] =	ssyncset.done @!p0 $0x0  }
0x3f: {  	[sflag:s21] =	ssyncadd.s32 @!p0 $0xFFFFD880  }
0x40: {  	_ =	sfence.sel $0x180000  }
0x41: {  	[bflag:$0x0] =	sbarrier.arrive $0xFFFF  }
0x42: {  	p0 =	sne.s32 s1, $0x0;
	_ =	strace $0x9000004D  }
0x43: {  	s0 =	sadd.s32 @!p0 $0x100000, s0;
	[bflag:$0x2] =	sbarrier.arrive $0xFFFF  }
0x44: {  	[sflag:s0] =	ssyncadd.tile.s32 @!p0 $0x1;
	_ =	shalt  }
.Lfunc_end2:
_tile_overlayer_lowered:
.L_overlay_start_2:
0x45: {  	(tag) =	ssettag $0x2  }
0x46: {  	s0 =	rddreg [dreg:$0x0];
	s2 =	stileid.u32  }
0x47: {  	s1 =	rddreg [dreg:$0x1];
	p0 =	sne.s32 s2, $0x0  }
0x48: {  	s3 =	rddreg [dreg:$0x2];
	[bflag:$0x3] =	sbarrier.arrive $0xFFFF;
	s2 =	simm.s32 @!p0 $0x1C02  }
0x49: {  	[timem:s3], [sflag:s2] =	dma.local @!p0 [hbm:s0], s1  }
0x4a: {  	s0 =	simm.s32 @!p0 $0x2  }
0x4b: {  	_ =	swait.ge @!p0 [sflag:s0], s1  }
0x4c: {  	s1 =	ssub.s32 @!p0 $0x0, s1;
	[sflag:s0] =	ssyncset.done @!p0 $0x0  }
0x4d: {  	[sflag:s0] =	ssyncadd.s32 @!p0 s1  }
0x4e: {  	[bflag:$0x3] =	sbarrier.arrive $0xFFFF  }
0x4f: {  	_ =	shalt  }

// kernel: kernel.19.cloned.1.call-start
scs
__scs_entry_jumppad:
0x0: {  	(pc) =	sbr.rel $0x88, $3  }
0x1: {  	(tag) =	ssettag $0x0;
	lr =	simm.s32 $0x1  }
0x2: {  	[smem:$0x3F90] =	sst lr;
	_ =	strace $0xD0000000  }
0x3: {  	_ = 	snop  }
0x4: {  	_ = 	snop  }
0x5: {  	_ = 	snop  }
0x6: {  	_ = 	snop  }
0x7: {  	_ = 	snop  }
__scs_overlays_trampoline_lowered:
0x8: {  	[smem:$0x3F9F] =	sst s0  }
0x9: {  	[smem:$0x3FA0] =	sst s1  }
0xa: {  	[smem:$0x3FA1] =	sst s2  }
0xb: {  	[smem:$0x3FA2] =	sst s3  }
0xc: {  	[smem:$0x3FA3] =	sst s4  }
0xd: {  	[smem:$0x3FA4] =	sst s5  }
0xe: {  	[smem:$0x3FA5] =	sst s6  }
0xf: {  	[smem:$0x3FA6] =	sst s7  }
0x10: {  	[smem:$0x3FA7] =	sst s8  }
0x11: {  	[smem:$0x3FA8] =	sst s9;
	s0 =	simm.s32 @!p0 $0x0  }
0x12: {  	s1 =	sld [smem:$0x3F8E];
	s0 =	simm.s32 @p0 $0x1  }
0x13: {  	[smem:$0x3FA9] =	sst s0;
	s0 =	simm.s32 @!p1 $0x0  }
0x14: {  	s2 =	sld [smem:$0x3F8D];
	s0 =	simm.s32 @p1 $0x1  }
0x15: {  	[smem:$0x3FAA] =	sst s0;
	s0 =	simm.s32 @!p2 $0x0  }
0x16: {  	s3 =	sld [smem:$0x3FDB];
	s0 =	simm.s32 @p2 $0x1  }
0x17: {  	s4 =	simm.s32 $0x1BF5;
	[smem:$0x3FAC] =	sst s0  }
0x18: {  	s0 =	sld [smem:$0x3F8F];
	_ =	swait.ge [sflag:s4], $0x0  }
0x19: {  	s7 =	sld [smem:$0x3F90]  }
0x1a: {  	s8 =	sadd.s32 $0xFFFFE003, lr  }
0x1b: {  	s9 =	sadd.s32 $0xFFFFFEF7, lr;
	s5 =	simm.s32 $0xFFFFFFFF;
	p2 =	slt.u32 s8, $0xFFFFF086  }
0x1c: {  	p1 =	slt.u32 s9, $0xF7A;
	s5 =	simm.s32 @!p2 $0x0  }
0x1d: {  	s5 =	simm.s32 @p1 $0x1;
	p0 =	seq.s32 s7, s2  }
0x1e: {  	s7 =	smul.u32 @!p0 $0xF7A, s2;
	p2 =	seq.s32 @!p0 s5, $0x0  }
0x1f: {  	s9 =	smul.u32 $0xF7A, s1;
	s8 =	simm.s32 @!p0 $0x1BF5;
	p2 =	por !p2, p0  }
0x20: {  	[sflag:s8] =	ssyncset.s32 @!p0 $0xFFFFF086;
	s6 =	sadd.s32 @!p0 s3, s7;
	s7 =	simm.s32 @!p0 $0x108  }
0x21: {  	s3 =	sadd.s32 s3, s9;
	s6 =	sadd.s32 @!p0 $0x88, s6;
	s7 =	simm.s32 @p2 $0x1082  }
0x22: {  	[simem:s7], [sflag:s8] =	dma.local @!p0 [hbm:s6], $0xF7A  }
0x23: {  	s9 =	sor.u32 $0xD0000000, s2;
	s6 =	simm.s32 $0x108;
	_ =	swait.ge @!p0 [sflag:s8], $0x0  }
0x24: {  	s3 =	sadd.s32 $0x88, s3;
	s6 =	simm.s32 @!p1 $0x1082;
	[sflag:s4] =	ssyncset.s32 $0xFFFFF086  }
0x25: {  	[simem:s6], [sflag:s4] =	dma.local [hbm:s3], $0xF7A  }
0x26: {  	[smem:$0x3F90] =	sst s1;
	(tag) =	ssettag s2;
	_ =	strace s9  }
0x27: {  	s1 =	sld [smem:$0x3FA0]  }
0x28: {  	s2 =	sld [smem:$0x3FA1]  }
0x29: {  	s4 =	sld [smem:$0x3FA3]  }
0x2a: {  	p0 =	seq.s32 s5, $0x0;
	s5 =	sld [smem:$0x3FA4]  }
0x2b: {  	s6 =	sld [smem:$0x3FA5]  }
0x2c: {  	s7 =	sld [smem:$0x3FA6]  }
0x2d: {  	s3 =	simm.s32 $0x108;
	s8 =	sld [smem:$0x3FA7]  }
0x2e: {  	s3 =	simm.s32 @!p0 $0x1082;
	s9 =	sld [smem:$0x3FA8]  }
0x2f: {  	lr =	sadd.s32 s0, s3;
	s0 =	sld [smem:$0x3F9F]  }
0x30: {  	s3 =	sld [smem:$0x3FA2]  }
0x31: {  	[smem:$0x3FAB] =	sst s10  }
0x32: {  	s10 =	sld [smem:$0x3FA9];
	_ =	sdelay $0x3  }
0x33: {  	p0 =	seq.s32 s10, $0x1;
	s10 =	sld [smem:$0x3FAB];
	_ =	sdelay $0x3  }
0x34: {  	[smem:$0x3FAB] =	sst s10  }
0x35: {  	s10 =	sld [smem:$0x3FAA];
	_ =	sdelay $0x3  }
0x36: {  	p1 =	seq.s32 s10, $0x1;
	s10 =	sld [smem:$0x3FAB];
	_ =	sdelay $0x3  }
0x37: {  	[smem:$0x3FAB] =	sst s10  }
0x38: {  	s10 =	sld [smem:$0x3FAC]  }
0x39: {  	_ = 	snop;
	(pc) =	sbr.ind lr, $3  }
0x3a: {  	_ = 	snop  }
0x3b: {  	_ = 	snop  }
0x3c: {  	p2 =	seq.s32 s10, $0x1;
	s10 =	sld [smem:$0x3FAB]  }
0x3d: {  	_ =	shalt  }
0x3e: {  	_ =	shalt  }
0x3f: {  	_ =	shalt  }
0x40: {  	_ =	shalt  }
0x41: {  	_ =	shalt  }
0x42: {  	_ =	shalt  }
0x43: {  	_ =	shalt  }
0x44: {  	_ =	shalt  }
0x45: {  	_ =	shalt  }
0x46: {  	_ =	shalt  }
0x47: {  	_ =	shalt  }
0x48: {  	_ =	shalt  }
0x49: {  	_ =	shalt  }
0x4a: {  	_ =	shalt  }
0x4b: {  	_ =	shalt  }
0x4c: {  	_ =	shalt  }
0x4d: {  	_ =	shalt  }
0x4e: {  	_ =	shalt  }
0x4f: {  	_ =	shalt  }
0x50: {  	_ =	shalt  }
0x51: {  	_ =	shalt  }
0x52: {  	_ =	shalt  }
0x53: {  	_ =	shalt  }
0x54: {  	_ =	shalt  }
0x55: {  	_ =	shalt  }
0x56: {  	_ =	shalt  }
0x57: {  	_ =	shalt  }
0x58: {  	_ =	shalt  }
0x59: {  	_ =	shalt  }
0x5a: {  	_ =	shalt  }
0x5b: {  	_ =	shalt  }
0x5c: {  	_ =	shalt  }
0x5d: {  	_ =	shalt  }
0x5e: {  	_ =	shalt  }
0x5f: {  	_ =	shalt  }
0x60: {  	_ =	shalt  }
0x61: {  	_ =	shalt  }
0x62: {  	_ =	shalt  }
0x63: {  	_ =	shalt  }
0x64: {  	_ =	shalt  }
0x65: {  	_ =	shalt  }
0x66: {  	_ =	shalt  }
0x67: {  	_ =	shalt  }
0x68: {  	_ =	shalt  }
0x69: {  	_ =	shalt  }
0x6a: {  	_ =	shalt  }
0x6b: {  	_ =	shalt  }
0x6c: {  	_ =	shalt  }
0x6d: {  	_ =	shalt  }
0x6e: {  	_ =	shalt  }
0x6f: {  	_ =	shalt  }
0x70: {  	_ =	shalt  }
0x71: {  	_ =	shalt  }
0x72: {  	_ =	shalt  }
0x73: {  	_ =	shalt  }
0x74: {  	_ =	shalt  }
0x75: {  	_ =	shalt  }
0x76: {  	_ =	shalt  }
0x77: {  	_ =	shalt  }
0x78: {  	_ =	shalt  }
0x79: {  	_ =	shalt  }
0x7a: {  	_ =	shalt  }
0x7b: {  	_ =	shalt  }
0x7c: {  	_ =	shalt  }
0x7d: {  	_ =	shalt  }
0x7e: {  	_ =	shalt  }
0x7f: {  	_ =	shalt  }
0x80: {  	_ =	shalt  }
0x81: {  	_ =	shalt  }
0x82: {  	_ =	shalt  }
0x83: {  	_ =	shalt  }
0x84: {  	_ =	shalt  }
0x85: {  	_ =	shalt  }
0x86: {  	_ =	shalt  }
0x87: {  	_ =	shalt  }
.Lfunc_end0:
.L_simem_size_0:
called_computation.3_lowered:
.L_overlay_start_0:
0x88: {  	s2 =	sld [smem:$0x3FD9]  }
0x89: {  	s3 =	sld [smem:$0x3FFE];
	_ =	sdelay $0x1  }
0x8a: {  	s1 =	srdreg.scid  }
0x8b: {  	s0 =	sand.u32 $0x1, s1  }
0x8c: {  	s16 =	sshll.u32 s0, $0xA;
	s2 =	sadd.s32 s3, s2  }
0x8d: {  	s2 =	sadd.s32 s2, s16  }
0x8e: {  	[smem:$0x3FB7] =	sst s2  }
0x8f: {  	_ = 	snop  }
0x90: {  	(tm) =	ssettm $0x1  }
0x91: {  	s17 =	sld [smem:$0x3FFB];
	_ =	sdelay $0x3  }
0x92: {  	_ =	strace s17  }
0x93: {  	s2 =	sld [smem:$0x3FFC];
	_ =	sdelay $0x3  }
0x94: {  	_ =	strace s2  }
0x95: {  	s2 =	sld [smem:$0x3FFD];
	_ =	sdelay $0x3  }
0x96: {  	_ =	strace s2  }
0x97: {  	_ =	strace $0x8FFFFFFF  }
0x98: {  	s18 =	sld [smem:$0x3FDB];
	_ =	sdelay $0x1  }
0x99: {  	s19 =	simm.s32 $_scs_section_size  }
0x9a: {  	s4 =	simm.s32 $_size__tile_overlayer_lowered;
	s5 =	simm.s32 $_tile_overlayer_lowered  }
0x9b: {  	s22 =	simm.s32 $0x1BFF;
	s21 =	sshll.u32 s5, $0x1;
	s2 =	sadd.s32 s19, s18  }
0x9c: {  	s6 =	simm.s32 $0x0;
	s20 =	sshll.u32 s4, $0x1;
	s4 =	sadd.s32 s21, s2  }
0x9d: {  	[timem:s6], [sflag:s22] =	dma.local [hbm:s4], s20  }
0x9e: {  	_ =	swait.ge [sflag:s22], s20  }
0x9f: {  	s3 =	ssub.s32 $0x0, s20;
	[sflag:s22] =	ssyncset.done $0x0  }
0xa0: {  	[sflag:s22] =	ssyncadd.s32 s3;
	_ =	sdelay $0x1  }
0xa1: {  	s23 =	simm.s32 $0x1B8B  }
0xa2: {  	_ =	swait.ge [sflag:s23], $0x1  }
0xa3: {  	[sflag:s23] =	ssyncset.done $0x0  }
0xa4: {  	s25 =	simm.s32 $0x1B8E;
	s24 =	sld [smem:$0x3FFE];
	[sflag:s23] =	ssyncadd.s32 $0xFFFFFFFF  }
0xa5: {  	s26 =	simm.s32 $execute0_lowered;
	[smem:$0x3FD2] =	sst s25  }
0xa6: {  	s4 =	sshll.u32 s26, $0x1;
	_ =	strace $0x8000004F;
	[dreg:$0x1] =	wrdreg $0xFFFFFFFF  }
0xa7: {  	s28 =	simm.s32 $_size_execute0_lowered;
	s2 =	sadd.s32 s2, s4;
	[dreg:$0x0] =	wrdreg $0x0  }
0xa8: {  	s4 =	sshll.u32 s28, $0x1;
	[dreg:$0x2] =	wrdreg s2  }
0xa9: {  	[dreg:$0x3] =	wrdreg s4  }
0xaa: {  	[dreg:$0x4] =	wrdreg $0xC0  }
0xab: {  	_ =	task [dreg:s6], $0x5FFFF  }
0xac: {  	[dreg:$0x1] =	wrdreg $0xFFFFFFFF  }
0xad: {  	[dreg:$0x0] =	wrdreg $0x60  }
0xae: {  	[dreg:$0x2] =	wrdreg s24  }
0xaf: {  	[dreg:$0x3] =	wrdreg $0x90000  }
0xb0: {  	[dreg:$0x4] =	wrdreg $0x9  }
0xb1: {  	_ =	task.clear_ibuf [dreg:s6], $0x5FFFF;
	_ =	strace $0x9000004F  }
0xb2: {  	s29 =	simm.s32 $0x9;
	_ =	strace $0x80000051  }
0xb3: {  	_ =	swait.ge [sflag:s29], $0x1  }
0xb4: {  	[sflag:s29] =	ssyncadd.s32 $0xFFFFFFFF  }
0xb5: {  	_ =	strace $0x90000051  }
0xb6: {  	_ =	sfence  }
0xb7: {  	s30 =	sld [smem:$0x0];
	_ =	sdelay $0x2  }
0xb8: {  	s31 =	sshll.u32 s1, $0xD;
	s1 =	sshrl.u32 s1, $0x2  }
0xb9: {  	s3 =	sand.u32 $0x4000, s31;
	s1 =	sadd.s32 s1, s30  }
0xba: {  	s0 =	sor.u32 s3, s0;
	s1 =	sshll.u32 s1, $0x11  }
0xbb: {  	s0 =	sor.u32 s1, s0  }
0xbc: {  	s0 =	sadd.s32 $0x8F2B, s0  }
0xbd: {  	[sflag:s0] =	ssyncadd.remote.s32 $0x1  }
0xbe: {  	_ =	sfence.sel $0xFFFF  }
0xbf: {  	[dreg:$0x0] =	wrdreg $0xFFFFFFFF;
	(pc) =	sbr.abs _section_cstart, $3  }
0xc0: {  	[dreg:$0x1] =	wrdreg $0xFFFFFFFF  }
0xc1: {  	_ =	task.clear_ibuf [dreg:s6], $0x2FFFF;
	_ =	strace $0x9FFFFFFF  }
0xc2: {  	(tm) =	ssettm $0x7FFFFFFF  }
0xc3: {  	_ =	shalt  }
tec
execute0_lowered:
.L_overlay_start_1:
0x0: {  	(tag) =	ssettag $0x1  }
0x1: {  	s0 =	srdreg.scid;
	s6 =	rddreg [dreg:$0x0]  }
0x2: {  	s2 =	rddreg [dreg:$0x1];
	s1 =	stileid.u32  }
0x3: {  	s3 =	simm.s32 $0x0;
	s13 =	simm.s32 $0x2;
	s14 =	simm.s32 $0x2800  }
0x4: {  	s15 =	simm.s32 $0x80;
	s16 =	simm.s32 $0x5000;
	s17 =	simm.s32 $0x1  }
0x5: {  	s20 =	simm.s32 $0x0;
	s7 =	sand.u32 $0x1, s0;
	s0 =	rddreg [dreg:$0x2]  }
0x6: {  	[smem:$0x7FF] =	sst s3;
	s9 =	smul.u32 $0x4F000, s1;
	s10 =	sadd.s32 $0xB8000, s6  }
0x7: {  	s12 =	smul.u32 $0x13C00, s1;
	s29 =	sshll.u32 s1, $0x6;
	s18 =	sadd.s32 $0x128400, s2  }
0x8: {  	p0 =	seq.s32 s1, $0xF;
	s4 =	sshll.u32 s7, $0x4;
	_ =	strace $0x80000050  }
0x9: {  	s28 =	ssub.s32 $0x2, s7;
	s7 =	smul.u32 $0x138800, s7;
	s18 =	sshrl.u32 @p0 s18, $0x3  }
0xa: {  	s4 =	sor.u32 s1, s4;
	s11 =	sshrl.u32 s28, $0x1;
	s9 =	sshrl.u32 s9, $0x2  }
0xb: {  	s5 =	smul.u32 $0x500, s4;
	s4 =	sadd.s32 $0x40200, s6;
	s11 =	ssub.s32 s28, s11  }
0xc: {  	s19 =	sadd.s32 s9, s2;
	s30 =	sadd.s32 s12, s7;
	s31 =	sshrl.u32 s7, $0x3  }
0xd: {  	s9 =	sshrl.u32 s30, $0x3;
	s12 =	sadd.s32 s10, s31;
	s11 =	smax.u32 s11, $0x1  }
0xe: {  	s8 =	sadd.s32 s5, s6;
	s5 =	sadd.s32 $0x8E600, s6;
	s6 =	sor.u32 $0x1C02, s29  }
0xf: {  	s9 =	sadd.s32 s10, s9;
	s10 =	sadd.s32 $0x25080, s12;
	s12 =	sshrl.u32 s19, $0x3  }
0x10: {  	s19 =	sshrl.u32 @!p0 s19, $0x3;
	s7 =	sadd.s32 $0xF000, s8;
	s8 =	sadd.s32 $0x5000, s8  }
.LBB2_1:
0x11: {  	[spmem:s12], [sflag:s6] =	dma.local [hbm:s5], $0x2780  }
0x12: {  	_ =	swait.ge [sflag:s13], $0x2780  }
0x13: {  	[sflag:s13] =	ssyncset.done $0x0  }
0x14: {  	[sflag:s13] =	ssyncadd.s32 $0xFFFFD880  }
0x15: {  	[tilespmem:s3], [sflag:$0x2] =	stream.linear.gather [hbm4b:s7+s3], $0x2780, $0x38;
	[tilespmem:$0x1CC00] =	vst v63  }
0x16: {  	_ =	swait.ge [sflag:s13], $0x2780  }
0x17: {  	[sflag:s13] =	ssyncset.done $0x0  }
0x18: {  	[sflag:s13] =	ssyncadd.s32 $0xFFFFD880  }
0x19: {  	[tilespmem:s14], [sflag:$0x2] =	stream.linear.gather [hbm4b:s8+s3], $0x2780, $0x38;
	[tilespmem:$0x1CC00] =	vst v63  }
0x1a: {  	_ =	swait.ge [sflag:s13], $0x2780  }
0x1b: {  	[sflag:s13] =	ssyncset.done $0x0  }
0x1c: {  	[sflag:s13] =	ssyncadd.s32 $0xFFFFD880  }
0x1d: {  	s21 =	simm.s32 $0x0;
	[bflag:$0x0] =	sbarrier.arrive $0xFFFF  }
0x1e: {  	[tilespmem:s16], [sflag:$0x1] =	stream.indirect.gather [hbm4b:s4+s15], $0x80, s21, s15, $0xb8;
	[tilespmem:$0x1CC00] =	vst v63  }
0x1f: {  	_ =	swait.ge [sflag:s17], $0x4000  }
0x20: {  	[sflag:s17] =	ssyncset.done $0x0  }
0x21: {  	s31 =	simm.s32 $0x2800;
	[sflag:s17] =	ssyncadd.s32 $0xFFFFC000  }
0x22: {  	[spmem:s2] =	stream.indirect.scatter.add.f32 [tilespmem:s16], [sflag:$0x2], $0x80, s31, s15, $0xb8;
	[tilespmem:$0x1CC00] =	vst v63  }
0x23: {  	_ =	swait.ge [sflag:s13], $0x4000  }
0x24: {  	s22 =	simm.s32 $0x400;
	s21 =	simm.s32 $0x200;
	[sflag:s13] =	ssyncset.done $0x0  }
.LBB2_2:
0x25: {  	s23 =	sshra.s32 s21, $0x2  }
0x26: {  	[sflag:s13] =	ssyncadd.s32 $0xFFFFC000;
	s21 =	smov.u32 s22;
	s24 =	sadd.s32 $0x200, s22  }
0x27: {  	[tilespmem:s16], [sflag:$0x1] =	stream.indirect.gather [hbm4b:s4+s15], $0x80, s23, s15, $0xb8;
	[tilespmem:$0x1CC00] =	vst v63  }
0x28: {  	p1 =	sne.s32 s22, $0x9C00;
	_ =	swait.ge [sflag:s17], $0x4000  }
.Ltmp0:
0x29: {  	[sflag:s17] =	ssyncset.done $0x0;
	(pc) =	sbr.rel @p1 .LBB2_2-.Ltmp0, $4  }
0x2a: {  	s22 =	sadd.s32 $0x2800, s23;
	[sflag:s17] =	ssyncadd.s32 $0xFFFFC000  }
0x2b: {  	[spmem:s2] =	stream.indirect.scatter.add.f32 [tilespmem:s16], [sflag:$0x2], $0x80, s22, s15, $0xb8;
	[tilespmem:$0x1CC00] =	vst v63  }
0x2c: {  	_ =	swait.ge [sflag:s13], $0x4000  }
0x2d: {  	s22 =	smov.u32 s24;
	[sflag:s13] =	ssyncset.done $0x0  }
0x2e: {  	s21 =	sshra.s32 s21, $0x2;
	[sflag:s13] =	ssyncadd.s32 $0xFFFFC000  }
0x2f: {  	[tilespmem:s16], [sflag:$0x1] =	stream.indirect.gather [hbm4b:s4+s15], $0x80, s21, s15, $0xb8;
	[tilespmem:$0x1CC00] =	vst v63  }
0x30: {  	_ =	swait.ge [sflag:s17], $0x4000  }
0x31: {  	[sflag:s17] =	ssyncset.done $0x0  }
0x32: {  	s21 =	sadd.s32 $0x2800, s21;
	[sflag:s17] =	ssyncadd.s32 $0xFFFFC000  }
0x33: {  	[spmem:s2] =	stream.indirect.scatter.add.f32 [tilespmem:s16], [sflag:$0x2], $0x80, s21, s15, $0xb8;
	[tilespmem:$0x1CC00] =	vst v63  }
0x34: {  	_ =	swait.ge [sflag:s13], $0x4000  }
0x35: {  	[sflag:s13] =	ssyncset.done $0x0  }
0x36: {  	[sflag:s13] =	ssyncadd.s32 $0xFFFFC000  }
0x37: {  	s21 =	simm.s32 @p0 $0x2;
	[bflag:$0x0] =	sbarrier.arrive $0xFFFF  }
0x38: {  	[hbm:s10], [sflag:s6] =	dma.local @p0 [spmem:s18], $0x2080  }
0x39: {  	s20 =	sadd.s32 $0x1, s20;
	_ =	swait.ge @p0 [sflag:s21], $0x2080  }
0x3a: {  	p1 =	sne.s32 s20, s11;
	[sflag:s21] =	ssyncset.done @p0 $0x0  }
.Ltmp1:
0x3b: {  	[sflag:s21] =	ssyncadd.s32 @p0 $0xFFFFDF80;
	s21 =	simm.s32 @!p0 $0x2;
	(pc) =	sbr.rel @p1 .LBB2_1-.Ltmp1, $4  }
0x3c: {  	[hbm:s9], [sflag:s6] =	dma.local @!p0 [spmem:s19], $0x2780  }
0x3d: {  	_ =	swait.ge @!p0 [sflag:s21], $0x2780  }
0x3e: {  	[sflag:s21] =	ssyncset.done @!p0 $0x0  }
0x3f: {  	[sflag:s21] =	ssyncadd.s32 @!p0 $0xFFFFD880  }
0x40: {  	_ =	sfence.sel $0x180000  }
0x41: {  	[bflag:$0x0] =	sbarrier.arrive $0xFFFF  }
0x42: {  	p0 =	sne.s32 s1, $0x0;
	_ =	strace $0x90000050  }
0x43: {  	s0 =	sadd.s32 @!p0 $0x100000, s0;
	[bflag:$0x2] =	sbarrier.arrive $0xFFFF  }
0x44: {  	[sflag:s0] =	ssyncadd.tile.s32 @!p0 $0x1;
	_ =	shalt  }
.Lfunc_end2:
_tile_overlayer_lowered:
.L_overlay_start_2:
0x45: {  	(tag) =	ssettag $0x2  }
0x46: {  	s0 =	rddreg [dreg:$0x0];
	s2 =	stileid.u32  }
0x47: {  	s1 =	rddreg [dreg:$0x1];
	p0 =	sne.s32 s2, $0x0  }
0x48: {  	s3 =	rddreg [dreg:$0x2];
	[bflag:$0x3] =	sbarrier.arrive $0xFFFF;
	s2 =	simm.s32 @!p0 $0x1C02  }
0x49: {  	[timem:s3], [sflag:s2] =	dma.local @!p0 [hbm:s0], s1  }
0x4a: {  	s0 =	simm.s32 @!p0 $0x2  }
0x4b: {  	_ =	swait.ge @!p0 [sflag:s0], s1  }
0x4c: {  	s1 =	ssub.s32 @!p0 $0x0, s1;
	[sflag:s0] =	ssyncset.done @!p0 $0x0  }
0x4d: {  	[sflag:s0] =	ssyncadd.s32 @!p0 s1  }
0x4e: {  	[bflag:$0x3] =	sbarrier.arrive $0xFFFF  }
0x4f: {  	_ =	shalt  }

</sc_bundles>
